<compile_context>
chip_gen: v7x
topology: tpu7x:2x2x1
jax: 0.10.2.dev20260603
libtpu: 0.0.44.dev20260713+nightly
codegen_flags: <defaults>
</compile_context>

<pallas_src>
import functools

import jax
import jax.numpy as jnp
from jax import lax
from jax.experimental import pallas as pl
from jax.experimental.pallas import tpu as pltpu
from jax.experimental.pallas import tpu_sc as plsc

BATCH = 64
PLEN = 50
D = 24576
NC, NS = 2, 16
NW = NC * NS
NSLICE = 16
DC = D // NSLICE
BH = BATCH // 2
GRP = 16


def kernel(prompt, embedding):
    idx = prompt.T
    mesh = plsc.VectorSubcoreMesh(core_axis_name="c", subcore_axis_name="s")

    @functools.partial(
        pl.kernel,
        out_type=jax.ShapeDtypeStruct((PLEN, BATCH, D), jnp.float32),
        mesh=mesh,
        scratch_types=[
            pltpu.VMEM((PLEN, BATCH), jnp.int32),
            pltpu.VMEM((PLEN, DC), jnp.float32),
            pltpu.SemaphoreType.DMA,
        ],
    )
    def run(emb_hbm, idx_hbm, out_hbm, idx_v, cache, sem):
        wid = lax.axis_index("s") * NC + lax.axis_index("c")
        sl = wid % NSLICE
        half = wid // NSLICE
        d0 = sl * DC
        pltpu.sync_copy(idx_hbm, idx_v)
        pltpu.sync_copy(emb_hbm.at[:, pl.ds(d0, DC)], cache)

        def piece(row, p, b):
            return pltpu.make_async_copy(
                cache.at[row], out_hbm.at[p, b, pl.ds(d0, DC)], sem)

        @pl.loop(0, PLEN * (BH // GRP))
        def _(g):
            p = g // (BH // GRP)
            mg = g - p * (BH // GRP)
            b0 = half * BH + mg * GRP
            v = idx_v[p, pl.ds(b0, GRP)]
            for k in range(GRP):
                piece(v[k], p, b0 + k).start()

                @pl.when(g > 0)
                def _():
                    piece(jnp.int32(0), 0, 0).wait()

        for _ in range(GRP):
            piece(jnp.int32(0), 0, 0).wait()

    return run(embedding, idx).transpose(1, 0, 2)

# --- scband reference (transcript-rebuilt; emitter-appended) ---
"""Pipeline reference for scband-prompt-encoder-45131516346402 (READ-ONLY COPY).

The authoritative reference and input builder live on the scoring server;
editing this copy changes nothing except your own understanding.
"""

import jax, jax.numpy as jnp
import numpy as np

PROMPT_SEQ_LEN = 50
HIDDEN = 1024
NUM_DECODER_LAYERS = 12
EMBED_DIM = NUM_DECODER_LAYERS * 2 * HIDDEN  # 24576
BATCH = 64
PLEN = 50


def setup_inputs(seed: int = 0) -> dict:
    key = jax.random.key(seed)
    k1, k2 = jax.random.split(key)
    prompt = jax.random.randint(k1, (BATCH, PLEN), 0, PROMPT_SEQ_LEN, dtype=jnp.int32)
    embedding = jax.random.normal(k2, (PROMPT_SEQ_LEN, EMBED_DIM), dtype=jnp.float32) * 0.02
    return {"prompt": prompt, "embedding": embedding}


def reference(prompt, embedding):
    # prompt_projection=False branch: plain embedding lookup
    # Output shape: (batch, prompt_len, 2*layers*hidden)
    prompt_kvs = jnp.take(embedding, prompt, axis=0)
    return prompt_kvs

if __name__ == "__main__":
    import jax
    _d = setup_inputs()
    print(jax.jit(kernel)(*tuple(_d.values())))

</pallas_src>

<mosaic_0001>
#map = affine_map<(d0, d1) -> (0, 0)>
#map1 = affine_map<(d0, d1) -> (0, 0, 0)>
module attributes {stable_mosaic.version = 14 : i64} {
  func.func @run(%arg0: i32, %arg1: i32, %arg2: memref<50x24576xf32, #tpu.memory_space<hbm>>, %arg3: memref<50x64xi32, #tpu.memory_space<hbm>>, %arg4: memref<50x64x24576xf32, #tpu.memory_space<hbm>>, %arg5: memref<50x64xi32, #tpu.memory_space<vmem>>, %arg6: memref<50x1536xf32, #tpu.memory_space<vmem>>, %arg7: memref<!tpu.dma_semaphore, #tpu.memory_space<semaphore_mem>>) attributes {dimension_semantics = [#tpu.dimension_semantics<core_parallel>, #tpu.dimension_semantics<subcore_parallel>], iteration_bounds = array<i64: 2, 16>, scalar_prefetch = 0 : i64, scratch_operands = 3 : i64, tpu.core_type = #tpu.core_type<sc_vector_subcore>, window_params = [{transform_indices = #map}, {transform_indices = #map}, {transform_indices = #map1}]} {
    %mul3A = arith.constant 2 : i32
    %mul3A_0 = arith.muli %arg1, %mul3A : i32
    %add3A = arith.addi %mul3A_0, %arg0 : i32
    %jit3A = arith.constant 16 : i32
    %eq3A = arith.constant 0 : i32
    %eq3A_1 = arith.cmpi eq, %jit3A, %eq3A : i32
    %jit3A_2 = arith.constant 1 : i32
    %select_n3A = arith.select %eq3A_1, %jit3A_2, %jit3A : i32
    %rem3A = arith.remsi %add3A, %select_n3A : i32
    %ne3A = arith.constant 0 : i32
    %ne3A_3 = arith.cmpi ne, %rem3A, %ne3A : i32
    %lt3A = arith.constant 0 : i32
    %lt3A_4 = arith.cmpi slt, %rem3A, %lt3A : i32
    %lt3A_5 = arith.constant 0 : i32
    %lt3A_6 = arith.cmpi slt, %select_n3A, %lt3A_5 : i32
    %ne3A_7 = arith.xori %lt3A_4, %lt3A_6 : i1
    %and3A = arith.andi %ne3A_7, %ne3A_3 : i1
    %add3A_8 = arith.addi %rem3A, %select_n3A : i32
    %select_n3A_9 = arith.select %and3A, %add3A_8, %rem3A : i32
    %jit3A_10 = arith.constant 16 : i32
    %div3A = arith.divsi %add3A, %jit3A_10 : i32
    %sign3A = arith.constant 0 : i32
    %sign3A_11 = arith.cmpi sgt, %add3A, %sign3A : i32
    %sign3A_12 = arith.extui %sign3A_11 : i1 to i32
    %sign3A_13 = arith.constant 0 : i32
    %sign3A_14 = arith.cmpi slt, %add3A, %sign3A_13 : i32
    %sign3A_15 = arith.extui %sign3A_14 : i1 to i32
    %sign3A_16 = arith.subi %sign3A_12, %sign3A_15 : i32
    %sign3A_17 = arith.constant 0 : i32
    %sign3A_18 = arith.cmpi sgt, %jit3A_10, %sign3A_17 : i32
    %sign3A_19 = arith.extui %sign3A_18 : i1 to i32
    %sign3A_20 = arith.constant 0 : i32
    %sign3A_21 = arith.cmpi slt, %jit3A_10, %sign3A_20 : i32
    %sign3A_22 = arith.extui %sign3A_21 : i1 to i32
    %sign3A_23 = arith.subi %sign3A_19, %sign3A_22 : i32
    %ne3A_24 = arith.cmpi ne, %sign3A_16, %sign3A_23 : i32
    %rem3A_25 = arith.remsi %add3A, %jit3A_10 : i32
    %ne3A_26 = arith.constant 0 : i32
    %ne3A_27 = arith.cmpi ne, %rem3A_25, %ne3A_26 : i32
    %and3A_28 = arith.andi %ne3A_24, %ne3A_27 : i1
    %sub3A = arith.constant 1 : i32
    %sub3A_29 = arith.subi %div3A, %sub3A : i32
    %select_n3A_30 = arith.select %and3A_28, %sub3A_29, %div3A : i32
    %mul3A_31 = arith.constant 1536 : i32
    %mul3A_32 = arith.muli %select_n3A_9, %mul3A_31 : i32
    "tpu.region"() ({
      %run_scoped3A = tpu.sem_alloc : memref<!tpu.dma_semaphore, #tpu.memory_space<semaphore_mem>>
      tpu.enqueue_dma source(%arg3 : memref<50x64xi32, #tpu.memory_space<hbm>>) target(%arg5 : memref<50x64xi32, #tpu.memory_space<vmem>>) target_semaphore(%run_scoped3A : memref<!tpu.dma_semaphore, #tpu.memory_space<semaphore_mem>>)
      tpu.wait_dma2 semaphore(%run_scoped3A : memref<!tpu.dma_semaphore, #tpu.memory_space<semaphore_mem>>) src(%arg3 : memref<50x64xi32, #tpu.memory_space<hbm>>) dst(%arg5 : memref<50x64xi32, #tpu.memory_space<vmem>>)
      tpu.yield
    }) : () -> ()
    "tpu.region"() ({
      %run_scoped3A = tpu.sem_alloc : memref<!tpu.dma_semaphore, #tpu.memory_space<semaphore_mem>>
      %dma_start3A = arith.constant 0 : i32
      %dma_start3A_244 = tpu.memref_slice %arg2[%dma_start3A, %mul3A_32] : memref<50x24576xf32, #tpu.memory_space<hbm>> -> memref<50x1536xf32, #tpu.memory_space<hbm>>
      %dma_start3A_245 = arith.constant 0 : i32
      %dma_start3A_246 = tpu.memref_slice %arg2[%dma_start3A_245, %mul3A_32] : memref<50x24576xf32, #tpu.memory_space<hbm>> -> memref<50x1536xf32, #tpu.memory_space<hbm>>
      tpu.enqueue_dma source(%dma_start3A_246 : memref<50x1536xf32, #tpu.memory_space<hbm>>) target(%arg6 : memref<50x1536xf32, #tpu.memory_space<vmem>>) target_semaphore(%run_scoped3A : memref<!tpu.dma_semaphore, #tpu.memory_space<semaphore_mem>>)
      %dma_wait3A_247 = arith.constant 0 : i32
      %dma_wait3A_248 = tpu.memref_slice %arg2[%dma_wait3A_247, %mul3A_32] : memref<50x24576xf32, #tpu.memory_space<hbm>> -> memref<50x1536xf32, #tpu.memory_space<hbm>>
      %dma_wait3A_249 = arith.constant 0 : i32
      %dma_wait3A_250 = tpu.memref_slice %arg2[%dma_wait3A_249, %mul3A_32] : memref<50x24576xf32, #tpu.memory_space<hbm>> -> memref<50x1536xf32, #tpu.memory_space<hbm>>
      tpu.wait_dma2 semaphore(%run_scoped3A : memref<!tpu.dma_semaphore, #tpu.memory_space<semaphore_mem>>) src(%dma_wait3A_250 : memref<50x1536xf32, #tpu.memory_space<hbm>>) dst(%arg6 : memref<50x1536xf32, #tpu.memory_space<vmem>>)
      tpu.yield
    }) : () -> ()
    %scan3A = arith.constant 0 : i32
    %scan3A_33 = arith.constant 100 : i32
    %scan3A_34 = arith.addi %scan3A, %scan3A_33 : i32
    %scan3A_35 = arith.constant 1 : i32
    scf.for %scan3A_244 = %scan3A to %scan3A_34 step %scan3A_35  : i32 {
      %mul3A_245 = arith.constant 1 : i32
      %mul3A_246 = arith.muli %scan3A_244, %mul3A_245 : i32
      %add3A_247 = arith.constant 0 : i32
      %add3A_248 = arith.addi %add3A_247, %mul3A_246 : i32
      %jit3A_249 = arith.constant 2 : i32
      %div3A_250 = arith.divsi %add3A_248, %jit3A_249 : i32
      %sign3A_251 = arith.constant 0 : i32
      %sign3A_252 = arith.cmpi sgt, %add3A_248, %sign3A_251 : i32
      %sign3A_253 = arith.extui %sign3A_252 : i1 to i32
      %sign3A_254 = arith.constant 0 : i32
      %sign3A_255 = arith.cmpi slt, %add3A_248, %sign3A_254 : i32
      %sign3A_256 = arith.extui %sign3A_255 : i1 to i32
      %sign3A_257 = arith.subi %sign3A_253, %sign3A_256 : i32
      %sign3A_258 = arith.constant 0 : i32
      %sign3A_259 = arith.cmpi sgt, %jit3A_249, %sign3A_258 : i32
      %sign3A_260 = arith.extui %sign3A_259 : i1 to i32
      %sign3A_261 = arith.constant 0 : i32
      %sign3A_262 = arith.cmpi slt, %jit3A_249, %sign3A_261 : i32
      %sign3A_263 = arith.extui %sign3A_262 : i1 to i32
      %sign3A_264 = arith.subi %sign3A_260, %sign3A_263 : i32
      %ne3A_265 = arith.cmpi ne, %sign3A_257, %sign3A_264 : i32
      %rem3A_266 = arith.remsi %add3A_248, %jit3A_249 : i32
      %ne3A_267 = arith.constant 0 : i32
      %ne3A_268 = arith.cmpi ne, %rem3A_266, %ne3A_267 : i32
      %and3A_269 = arith.andi %ne3A_265, %ne3A_268 : i1
      %sub3A_270 = arith.constant 1 : i32
      %sub3A_271 = arith.subi %div3A_250, %sub3A_270 : i32
      %select_n3A_272 = arith.select %and3A_269, %sub3A_271, %div3A_250 : i32
      %mul3A_273 = arith.constant 2 : i32
      %mul3A_274 = arith.muli %select_n3A_272, %mul3A_273 : i32
      %sub3A_275 = arith.subi %add3A_248, %mul3A_274 : i32
      %mul3A_276 = arith.constant 32 : i32
      %mul3A_277 = arith.muli %select_n3A_30, %mul3A_276 : i32
      %mul3A_278 = arith.constant 16 : i32
      %mul3A_279 = arith.muli %sub3A_275, %mul3A_278 : i32
      %add3A_280 = arith.addi %mul3A_277, %mul3A_279 : i32
      %get3A = arith.index_cast %select_n3A_272 : i32 to index
      %get3A_281 = arith.index_cast %add3A_280 : i32 to index
      %get3A_282 = tpu.vector_load %arg5[%get3A, %get3A_281] {strides = array<i32>} : memref<50x64xi32, #tpu.memory_space<vmem>>, vector<1x16xi32>,
      %get3A_283 = vector.shape_cast %get3A_282 : vector<1x16xi32> to vector<16xi32>
      %slice3A = vector.extract_strided_slice %get3A_283 {offsets = [0], sizes = [1], strides = [1]} : vector<16xi32> to vector<1xi32>
      %squeeze3A = vector.extract %slice3A[0] : i32 from vector<1xi32>
      %add3A_284 = arith.constant 0 : i32
      %add3A_285 = arith.addi %add3A_280, %add3A_284 : i32
      %dma_start3A = arith.constant 0 : i32
      %dma_start3A_286 = tpu.memref_slice %arg6[%squeeze3A, %dma_start3A] : memref<50x1536xf32, #tpu.memory_space<vmem>> -> memref<1x1536xf32, #tpu.memory_space<vmem>>
      %dma_start3A_287 = tpu.memref_squeeze %dma_start3A_286 : memref<1x1536xf32, #tpu.memory_space<vmem>> -> memref<1536xf32, #tpu.memory_space<vmem>>
      %dma_start3A_288 = tpu.memref_slice %arg4[%select_n3A_272, %add3A_285, %mul3A_32] : memref<50x64x24576xf32, #tpu.memory_space<hbm>> -> memref<1x1x1536xf32, #tpu.memory_space<hbm>>
      %dma_start3A_289 = tpu.memref_squeeze %dma_start3A_288 : memref<1x1x1536xf32, #tpu.memory_space<hbm>> -> memref<1536xf32, #tpu.memory_space<hbm>>
      %dma_start3A_290 = tpu.memref_slice %arg4[%select_n3A_272, %add3A_285, %mul3A_32] : memref<50x64x24576xf32, #tpu.memory_space<hbm>> -> memref<1x1x1536xf32, #tpu.memory_space<hbm>>
      %dma_start3A_291 = tpu.memref_squeeze %dma_start3A_290 : memref<1x1x1536xf32, #tpu.memory_space<hbm>> -> memref<1536xf32, #tpu.memory_space<hbm>>
      %dma_start3A_292 = arith.constant 0 : i32
      %dma_start3A_293 = tpu.memref_slice %arg6[%squeeze3A, %dma_start3A_292] : memref<50x1536xf32, #tpu.memory_space<vmem>> -> memref<1x1536xf32, #tpu.memory_space<vmem>>
      %dma_start3A_294 = tpu.memref_squeeze %dma_start3A_293 : memref<1x1536xf32, #tpu.memory_space<vmem>> -> memref<1536xf32, #tpu.memory_space<vmem>>
      tpu.enqueue_dma source(%dma_start3A_294 : memref<1536xf32, #tpu.memory_space<vmem>>) target(%dma_start3A_291 : memref<1536xf32, #tpu.memory_space<hbm>>) target_semaphore(%arg7 : memref<!tpu.dma_semaphore, #tpu.memory_space<semaphore_mem>>)
      %gt3A = arith.constant 0 : i32
      %gt3A_295 = arith.cmpi sgt, %add3A_248, %gt3A : i32
      %convert_element_type3A = arith.extui %gt3A_295 : i1 to i32
      %cond3A = arith.constant 0 : i32
      %cond3A_296 = arith.cmpi ne, %convert_element_type3A, %cond3A : i32
      scf.if %cond3A_296 {
        %dma_wait3A_582 = arith.constant 0 : i32
        %dma_wait3A_583 = arith.constant 0 : i32
        %dma_wait3A_584 = arith.constant 0 : i32
        %dma_wait3A_585 = arith.constant 0 : i32
        %dma_wait3A_586 = tpu.memref_slice %arg6[%dma_wait3A_582, %dma_wait3A_585] : memref<50x1536xf32, #tpu.memory_space<vmem>> -> memref<1x1536xf32, #tpu.memory_space<vmem>>
        %dma_wait3A_587 = tpu.memref_squeeze %dma_wait3A_586 : memref<1x1536xf32, #tpu.memory_space<vmem>> -> memref<1536xf32, #tpu.memory_space<vmem>>
        %dma_wait3A_588 = tpu.memref_slice %arg4[%dma_wait3A_583, %dma_wait3A_584, %mul3A_32] : memref<50x64x24576xf32, #tpu.memory_space<hbm>> -> memref<1x1x1536xf32, #tpu.memory_space<hbm>>
        %dma_wait3A_589 = tpu.memref_squeeze %dma_wait3A_588 : memref<1x1x1536xf32, #tpu.memory_space<hbm>> -> memref<1536xf32, #tpu.memory_space<hbm>>
        %dma_wait3A_590 = tpu.memref_slice %arg4[%dma_wait3A_583, %dma_wait3A_584, %mul3A_32] : memref<50x64x24576xf32, #tpu.memory_space<hbm>> -> memref<1x1x1536xf32, #tpu.memory_space<hbm>>
        %dma_wait3A_591 = tpu.memref_squeeze %dma_wait3A_590 : memref<1x1x1536xf32, #tpu.memory_space<hbm>> -> memref<1536xf32, #tpu.memory_space<hbm>>
        %dma_wait3A_592 = arith.constant 0 : i32
        %dma_wait3A_593 = tpu.memref_slice %arg6[%dma_wait3A_582, %dma_wait3A_592] : memref<50x1536xf32, #tpu.memory_space<vmem>> -> memref<1x1536xf32, #tpu.memory_space<vmem>>
        %dma_wait3A_594 = tpu.memref_squeeze %dma_wait3A_593 : memref<1x1536xf32, #tpu.memory_space<vmem>> -> memref<1536xf32, #tpu.memory_space<vmem>>
        tpu.wait_dma2 semaphore(%arg7 : memref<!tpu.dma_semaphore, #tpu.memory_space<semaphore_mem>>) src(%dma_wait3A_594 : memref<1536xf32, #tpu.memory_space<vmem>>) dst(%dma_wait3A_591 : memref<1536xf32, #tpu.memory_space<hbm>>)
      } else {
      }
      %slice3A_297 = vector.extract_strided_slice %get3A_283 {offsets = [1], sizes = [1], strides = [1]} : vector<16xi32> to vector<1xi32>
      %squeeze3A_298 = vector.extract %slice3A_297[0] : i32 from vector<1xi32>
      %add3A_299 = arith.constant 1 : i32
      %add3A_300 = arith.addi %add3A_280, %add3A_299 : i32
      %dma_start3A_301 = arith.constant 0 : i32
      %dma_start3A_302 = tpu.memref_slice %arg6[%squeeze3A_298, %dma_start3A_301] : memref<50x1536xf32, #tpu.memory_space<vmem>> -> memref<1x1536xf32, #tpu.memory_space<vmem>>
      %dma_start3A_303 = tpu.memref_squeeze %dma_start3A_302 : memref<1x1536xf32, #tpu.memory_space<vmem>> -> memref<1536xf32, #tpu.memory_space<vmem>>
      %dma_start3A_304 = tpu.memref_slice %arg4[%select_n3A_272, %add3A_300, %mul3A_32] : memref<50x64x24576xf32, #tpu.memory_space<hbm>> -> memref<1x1x1536xf32, #tpu.memory_space<hbm>>
      %dma_start3A_305 = tpu.memref_squeeze %dma_start3A_304 : memref<1x1x1536xf32, #tpu.memory_space<hbm>> -> memref<1536xf32, #tpu.memory_space<hbm>>
      %dma_start3A_306 = tpu.memref_slice %arg4[%select_n3A_272, %add3A_300, %mul3A_32] : memref<50x64x24576xf32, #tpu.memory_space<hbm>> -> memref<1x1x1536xf32, #tpu.memory_space<hbm>>
      %dma_start3A_307 = tpu.memref_squeeze %dma_start3A_306 : memref<1x1x1536xf32, #tpu.memory_space<hbm>> -> memref<1536xf32, #tpu.memory_space<hbm>>
      %dma_start3A_308 = arith.constant 0 : i32
      %dma_start3A_309 = tpu.memref_slice %arg6[%squeeze3A_298, %dma_start3A_308] : memref<50x1536xf32, #tpu.memory_space<vmem>> -> memref<1x1536xf32, #tpu.memory_space<vmem>>
      %dma_start3A_310 = tpu.memref_squeeze %dma_start3A_309 : memref<1x1536xf32, #tpu.memory_space<vmem>> -> memref<1536xf32, #tpu.memory_space<vmem>>
      tpu.enqueue_dma source(%dma_start3A_310 : memref<1536xf32, #tpu.memory_space<vmem>>) target(%dma_start3A_307 : memref<1536xf32, #tpu.memory_space<hbm>>) target_semaphore(%arg7 : memref<!tpu.dma_semaphore, #tpu.memory_space<semaphore_mem>>)
      %gt3A_311 = arith.constant 0 : i32
      %gt3A_312 = arith.cmpi sgt, %add3A_248, %gt3A_311 : i32
      %convert_element_type3A_313 = arith.extui %gt3A_312 : i1 to i32
      %cond3A_314 = arith.constant 0 : i32
      %cond3A_315 = arith.cmpi ne, %convert_element_type3A_313, %cond3A_314 : i32
      scf.if %cond3A_315 {
        %dma_wait3A_582 = arith.constant 0 : i32
        %dma_wait3A_583 = arith.constant 0 : i32
        %dma_wait3A_584 = arith.constant 0 : i32
        %dma_wait3A_585 = arith.constant 0 : i32
        %dma_wait3A_586 = tpu.memref_slice %arg6[%dma_wait3A_582, %dma_wait3A_585] : memref<50x1536xf32, #tpu.memory_space<vmem>> -> memref<1x1536xf32, #tpu.memory_space<vmem>>
        %dma_wait3A_587 = tpu.memref_squeeze %dma_wait3A_586 : memref<1x1536xf32, #tpu.memory_space<vmem>> -> memref<1536xf32, #tpu.memory_space<vmem>>
        %dma_wait3A_588 = tpu.memref_slice %arg4[%dma_wait3A_583, %dma_wait3A_584, %mul3A_32] : memref<50x64x24576xf32, #tpu.memory_space<hbm>> -> memref<1x1x1536xf32, #tpu.memory_space<hbm>>
        %dma_wait3A_589 = tpu.memref_squeeze %dma_wait3A_588 : memref<1x1x1536xf32, #tpu.memory_space<hbm>> -> memref<1536xf32, #tpu.memory_space<hbm>>
        %dma_wait3A_590 = tpu.memref_slice %arg4[%dma_wait3A_583, %dma_wait3A_584, %mul3A_32] : memref<50x64x24576xf32, #tpu.memory_space<hbm>> -> memref<1x1x1536xf32, #tpu.memory_space<hbm>>
        %dma_wait3A_591 = tpu.memref_squeeze %dma_wait3A_590 : memref<1x1x1536xf32, #tpu.memory_space<hbm>> -> memref<1536xf32, #tpu.memory_space<hbm>>
        %dma_wait3A_592 = arith.constant 0 : i32
        %dma_wait3A_593 = tpu.memref_slice %arg6[%dma_wait3A_582, %dma_wait3A_592] : memref<50x1536xf32, #tpu.memory_space<vmem>> -> memref<1x1536xf32, #tpu.memory_space<vmem>>
        %dma_wait3A_594 = tpu.memref_squeeze %dma_wait3A_593 : memref<1x1536xf32, #tpu.memory_space<vmem>> -> memref<1536xf32, #tpu.memory_space<vmem>>
        tpu.wait_dma2 semaphore(%arg7 : memref<!tpu.dma_semaphore, #tpu.memory_space<semaphore_mem>>) src(%dma_wait3A_594 : memref<1536xf32, #tpu.memory_space<vmem>>) dst(%dma_wait3A_591 : memref<1536xf32, #tpu.memory_space<hbm>>)
      } else {
      }
      %slice3A_316 = vector.extract_strided_slice %get3A_283 {offsets = [2], sizes = [1], strides = [1]} : vector<16xi32> to vector<1xi32>
      %squeeze3A_317 = vector.extract %slice3A_316[0] : i32 from vector<1xi32>
      %add3A_318 = arith.constant 2 : i32
      %add3A_319 = arith.addi %add3A_280, %add3A_318 : i32
      %dma_start3A_320 = arith.constant 0 : i32
      %dma_start3A_321 = tpu.memref_slice %arg6[%squeeze3A_317, %dma_start3A_320] : memref<50x1536xf32, #tpu.memory_space<vmem>> -> memref<1x1536xf32, #tpu.memory_space<vmem>>
      %dma_start3A_322 = tpu.memref_squeeze %dma_start3A_321 : memref<1x1536xf32, #tpu.memory_space<vmem>> -> memref<1536xf32, #tpu.memory_space<vmem>>
      %dma_start3A_323 = tpu.memref_slice %arg4[%select_n3A_272, %add3A_319, %mul3A_32] : memref<50x64x24576xf32, #tpu.memory_space<hbm>> -> memref<1x1x1536xf32, #tpu.memory_space<hbm>>
      %dma_start3A_324 = tpu.memref_squeeze %dma_start3A_323 : memref<1x1x1536xf32, #tpu.memory_space<hbm>> -> memref<1536xf32, #tpu.memory_space<hbm>>
      %dma_start3A_325 = tpu.memref_slice %arg4[%select_n3A_272, %add3A_319, %mul3A_32] : memref<50x64x24576xf32, #tpu.memory_space<hbm>> -> memref<1x1x1536xf32, #tpu.memory_space<hbm>>
      %dma_start3A_326 = tpu.memref_squeeze %dma_start3A_325 : memref<1x1x1536xf32, #tpu.memory_space<hbm>> -> memref<1536xf32, #tpu.memory_space<hbm>>
      %dma_start3A_327 = arith.constant 0 : i32
      %dma_start3A_328 = tpu.memref_slice %arg6[%squeeze3A_317, %dma_start3A_327] : memref<50x1536xf32, #tpu.memory_space<vmem>> -> memref<1x1536xf32, #tpu.memory_space<vmem>>
      %dma_start3A_329 = tpu.memref_squeeze %dma_start3A_328 : memref<1x1536xf32, #tpu.memory_space<vmem>> -> memref<1536xf32, #tpu.memory_space<vmem>>
      tpu.enqueue_dma source(%dma_start3A_329 : memref<1536xf32, #tpu.memory_space<vmem>>) target(%dma_start3A_326 : memref<1536xf32, #tpu.memory_space<hbm>>) target_semaphore(%arg7 : memref<!tpu.dma_semaphore, #tpu.memory_space<semaphore_mem>>)
      %gt3A_330 = arith.constant 0 : i32
      %gt3A_331 = arith.cmpi sgt, %add3A_248, %gt3A_330 : i32
      %convert_element_type3A_332 = arith.extui %gt3A_331 : i1 to i32
      %cond3A_333 = arith.constant 0 : i32
      %cond3A_334 = arith.cmpi ne, %convert_element_type3A_332, %cond3A_333 : i32
      scf.if %cond3A_334 {
        %dma_wait3A_582 = arith.constant 0 : i32
        %dma_wait3A_583 = arith.constant 0 : i32
        %dma_wait3A_584 = arith.constant 0 : i32
        %dma_wait3A_585 = arith.constant 0 : i32
        %dma_wait3A_586 = tpu.memref_slice %arg6[%dma_wait3A_582, %dma_wait3A_585] : memref<50x1536xf32, #tpu.memory_space<vmem>> -> memref<1x1536xf32, #tpu.memory_space<vmem>>
        %dma_wait3A_587 = tpu.memref_squeeze %dma_wait3A_586 : memref<1x1536xf32, #tpu.memory_space<vmem>> -> memref<1536xf32, #tpu.memory_space<vmem>>
        %dma_wait3A_588 = tpu.memref_slice %arg4[%dma_wait3A_583, %dma_wait3A_584, %mul3A_32] : memref<50x64x24576xf32, #tpu.memory_space<hbm>> -> memref<1x1x1536xf32, #tpu.memory_space<hbm>>
        %dma_wait3A_589 = tpu.memref_squeeze %dma_wait3A_588 : memref<1x1x1536xf32, #tpu.memory_space<hbm>> -> memref<1536xf32, #tpu.memory_space<hbm>>
        %dma_wait3A_590 = tpu.memref_slice %arg4[%dma_wait3A_583, %dma_wait3A_584, %mul3A_32] : memref<50x64x24576xf32, #tpu.memory_space<hbm>> -> memref<1x1x1536xf32, #tpu.memory_space<hbm>>
        %dma_wait3A_591 = tpu.memref_squeeze %dma_wait3A_590 : memref<1x1x1536xf32, #tpu.memory_space<hbm>> -> memref<1536xf32, #tpu.memory_space<hbm>>
        %dma_wait3A_592 = arith.constant 0 : i32
        %dma_wait3A_593 = tpu.memref_slice %arg6[%dma_wait3A_582, %dma_wait3A_592] : memref<50x1536xf32, #tpu.memory_space<vmem>> -> memref<1x1536xf32, #tpu.memory_space<vmem>>
        %dma_wait3A_594 = tpu.memref_squeeze %dma_wait3A_593 : memref<1x1536xf32, #tpu.memory_space<vmem>> -> memref<1536xf32, #tpu.memory_space<vmem>>
        tpu.wait_dma2 semaphore(%arg7 : memref<!tpu.dma_semaphore, #tpu.memory_space<semaphore_mem>>) src(%dma_wait3A_594 : memref<1536xf32, #tpu.memory_space<vmem>>) dst(%dma_wait3A_591 : memref<1536xf32, #tpu.memory_space<hbm>>)
      } else {
      }
      %slice3A_335 = vector.extract_strided_slice %get3A_283 {offsets = [3], sizes = [1], strides = [1]} : vector<16xi32> to vector<1xi32>
      %squeeze3A_336 = vector.extract %slice3A_335[0] : i32 from vector<1xi32>
      %add3A_337 = arith.constant 3 : i32
      %add3A_338 = arith.addi %add3A_280, %add3A_337 : i32
      %dma_start3A_339 = arith.constant 0 : i32
      %dma_start3A_340 = tpu.memref_slice %arg6[%squeeze3A_336, %dma_start3A_339] : memref<50x1536xf32, #tpu.memory_space<vmem>> -> memref<1x1536xf32, #tpu.memory_space<vmem>>
      %dma_start3A_341 = tpu.memref_squeeze %dma_start3A_340 : memref<1x1536xf32, #tpu.memory_space<vmem>> -> memref<1536xf32, #tpu.memory_space<vmem>>
      %dma_start3A_342 = tpu.memref_slice %arg4[%select_n3A_272, %add3A_338, %mul3A_32] : memref<50x64x24576xf32, #tpu.memory_space<hbm>> -> memref<1x1x1536xf32, #tpu.memory_space<hbm>>
      %dma_start3A_343 = tpu.memref_squeeze %dma_start3A_342 : memref<1x1x1536xf32, #tpu.memory_space<hbm>> -> memref<1536xf32, #tpu.memory_space<hbm>>
      %dma_start3A_344 = tpu.memref_slice %arg4[%select_n3A_272, %add3A_338, %mul3A_32] : memref<50x64x24576xf32, #tpu.memory_space<hbm>> -> memref<1x1x1536xf32, #tpu.memory_space<hbm>>
      %dma_start3A_345 = tpu.memref_squeeze %dma_start3A_344 : memref<1x1x1536xf32, #tpu.memory_space<hbm>> -> memref<1536xf32, #tpu.memory_space<hbm>>
      %dma_start3A_346 = arith.constant 0 : i32
      %dma_start3A_347 = tpu.memref_slice %arg6[%squeeze3A_336, %dma_start3A_346] : memref<50x1536xf32, #tpu.memory_space<vmem>> -> memref<1x1536xf32, #tpu.memory_space<vmem>>
      %dma_start3A_348 = tpu.memref_squeeze %dma_start3A_347 : memref<1x1536xf32, #tpu.memory_space<vmem>> -> memref<1536xf32, #tpu.memory_space<vmem>>
      tpu.enqueue_dma source(%dma_start3A_348 : memref<1536xf32, #tpu.memory_space<vmem>>) target(%dma_start3A_345 : memref<1536xf32, #tpu.memory_space<hbm>>) target_semaphore(%arg7 : memref<!tpu.dma_semaphore, #tpu.memory_space<semaphore_mem>>)
      %gt3A_349 = arith.constant 0 : i32
      %gt3A_350 = arith.cmpi sgt, %add3A_248, %gt3A_349 : i32
      %convert_element_type3A_351 = arith.extui %gt3A_350 : i1 to i32
      %cond3A_352 = arith.constant 0 : i32
      %cond3A_353 = arith.cmpi ne, %convert_element_type3A_351, %cond3A_352 : i32
      scf.if %cond3A_353 {
        %dma_wait3A_582 = arith.constant 0 : i32
        %dma_wait3A_583 = arith.constant 0 : i32
        %dma_wait3A_584 = arith.constant 0 : i32
        %dma_wait3A_585 = arith.constant 0 : i32
        %dma_wait3A_586 = tpu.memref_slice %arg6[%dma_wait3A_582, %dma_wait3A_585] : memref<50x1536xf32, #tpu.memory_space<vmem>> -> memref<1x1536xf32, #tpu.memory_space<vmem>>
        %dma_wait3A_587 = tpu.memref_squeeze %dma_wait3A_586 : memref<1x1536xf32, #tpu.memory_space<vmem>> -> memref<1536xf32, #tpu.memory_space<vmem>>
        %dma_wait3A_588 = tpu.memref_slice %arg4[%dma_wait3A_583, %dma_wait3A_584, %mul3A_32] : memref<50x64x24576xf32, #tpu.memory_space<hbm>> -> memref<1x1x1536xf32, #tpu.memory_space<hbm>>
        %dma_wait3A_589 = tpu.memref_squeeze %dma_wait3A_588 : memref<1x1x1536xf32, #tpu.memory_space<hbm>> -> memref<1536xf32, #tpu.memory_space<hbm>>
        %dma_wait3A_590 = tpu.memref_slice %arg4[%dma_wait3A_583, %dma_wait3A_584, %mul3A_32] : memref<50x64x24576xf32, #tpu.memory_space<hbm>> -> memref<1x1x1536xf32, #tpu.memory_space<hbm>>
        %dma_wait3A_591 = tpu.memref_squeeze %dma_wait3A_590 : memref<1x1x1536xf32, #tpu.memory_space<hbm>> -> memref<1536xf32, #tpu.memory_space<hbm>>
        %dma_wait3A_592 = arith.constant 0 : i32
        %dma_wait3A_593 = tpu.memref_slice %arg6[%dma_wait3A_582, %dma_wait3A_592] : memref<50x1536xf32, #tpu.memory_space<vmem>> -> memref<1x1536xf32, #tpu.memory_space<vmem>>
        %dma_wait3A_594 = tpu.memref_squeeze %dma_wait3A_593 : memref<1x1536xf32, #tpu.memory_space<vmem>> -> memref<1536xf32, #tpu.memory_space<vmem>>
        tpu.wait_dma2 semaphore(%arg7 : memref<!tpu.dma_semaphore, #tpu.memory_space<semaphore_mem>>) src(%dma_wait3A_594 : memref<1536xf32, #tpu.memory_space<vmem>>) dst(%dma_wait3A_591 : memref<1536xf32, #tpu.memory_space<hbm>>)
      } else {
      }
      %slice3A_354 = vector.extract_strided_slice %get3A_283 {offsets = [4], sizes = [1], strides = [1]} : vector<16xi32> to vector<1xi32>
      %squeeze3A_355 = vector.extract %slice3A_354[0] : i32 from vector<1xi32>
      %add3A_356 = arith.constant 4 : i32
      %add3A_357 = arith.addi %add3A_280, %add3A_356 : i32
      %dma_start3A_358 = arith.constant 0 : i32
      %dma_start3A_359 = tpu.memref_slice %arg6[%squeeze3A_355, %dma_start3A_358] : memref<50x1536xf32, #tpu.memory_space<vmem>> -> memref<1x1536xf32, #tpu.memory_space<vmem>>
      %dma_start3A_360 = tpu.memref_squeeze %dma_start3A_359 : memref<1x1536xf32, #tpu.memory_space<vmem>> -> memref<1536xf32, #tpu.memory_space<vmem>>
      %dma_start3A_361 = tpu.memref_slice %arg4[%select_n3A_272, %add3A_357, %mul3A_32] : memref<50x64x24576xf32, #tpu.memory_space<hbm>> -> memref<1x1x1536xf32, #tpu.memory_space<hbm>>
      %dma_start3A_362 = tpu.memref_squeeze %dma_start3A_361 : memref<1x1x1536xf32, #tpu.memory_space<hbm>> -> memref<1536xf32, #tpu.memory_space<hbm>>
      %dma_start3A_363 = tpu.memref_slice %arg4[%select_n3A_272, %add3A_357, %mul3A_32] : memref<50x64x24576xf32, #tpu.memory_space<hbm>> -> memref<1x1x1536xf32, #tpu.memory_space<hbm>>
      %dma_start3A_364 = tpu.memref_squeeze %dma_start3A_363 : memref<1x1x1536xf32, #tpu.memory_space<hbm>> -> memref<1536xf32, #tpu.memory_space<hbm>>
      %dma_start3A_365 = arith.constant 0 : i32
      %dma_start3A_366 = tpu.memref_slice %arg6[%squeeze3A_355, %dma_start3A_365] : memref<50x1536xf32, #tpu.memory_space<vmem>> -> memref<1x1536xf32, #tpu.memory_space<vmem>>
      %dma_start3A_367 = tpu.memref_squeeze %dma_start3A_366 : memref<1x1536xf32, #tpu.memory_space<vmem>> -> memref<1536xf32, #tpu.memory_space<vmem>>
      tpu.enqueue_dma source(%dma_start3A_367 : memref<1536xf32, #tpu.memory_space<vmem>>) target(%dma_start3A_364 : memref<1536xf32, #tpu.memory_space<hbm>>) target_semaphore(%arg7 : memref<!tpu.dma_semaphore, #tpu.memory_space<semaphore_mem>>)
      %gt3A_368 = arith.constant 0 : i32
      %gt3A_369 = arith.cmpi sgt, %add3A_248, %gt3A_368 : i32
      %convert_element_type3A_370 = arith.extui %gt3A_369 : i1 to i32
      %cond3A_371 = arith.constant 0 : i32
      %cond3A_372 = arith.cmpi ne, %convert_element_type3A_370, %cond3A_371 : i32
      scf.if %cond3A_372 {
        %dma_wait3A_582 = arith.constant 0 : i32
        %dma_wait3A_583 = arith.constant 0 : i32
        %dma_wait3A_584 = arith.constant 0 : i32
        %dma_wait3A_585 = arith.constant 0 : i32
        %dma_wait3A_586 = tpu.memref_slice %arg6[%dma_wait3A_582, %dma_wait3A_585] : memref<50x1536xf32, #tpu.memory_space<vmem>> -> memref<1x1536xf32, #tpu.memory_space<vmem>>
        %dma_wait3A_587 = tpu.memref_squeeze %dma_wait3A_586 : memref<1x1536xf32, #tpu.memory_space<vmem>> -> memref<1536xf32, #tpu.memory_space<vmem>>
        %dma_wait3A_588 = tpu.memref_slice %arg4[%dma_wait3A_583, %dma_wait3A_584, %mul3A_32] : memref<50x64x24576xf32, #tpu.memory_space<hbm>> -> memref<1x1x1536xf32, #tpu.memory_space<hbm>>
        %dma_wait3A_589 = tpu.memref_squeeze %dma_wait3A_588 : memref<1x1x1536xf32, #tpu.memory_space<hbm>> -> memref<1536xf32, #tpu.memory_space<hbm>>
        %dma_wait3A_590 = tpu.memref_slice %arg4[%dma_wait3A_583, %dma_wait3A_584, %mul3A_32] : memref<50x64x24576xf32, #tpu.memory_space<hbm>> -> memref<1x1x1536xf32, #tpu.memory_space<hbm>>
        %dma_wait3A_591 = tpu.memref_squeeze %dma_wait3A_590 : memref<1x1x1536xf32, #tpu.memory_space<hbm>> -> memref<1536xf32, #tpu.memory_space<hbm>>
        %dma_wait3A_592 = arith.constant 0 : i32
        %dma_wait3A_593 = tpu.memref_slice %arg6[%dma_wait3A_582, %dma_wait3A_592] : memref<50x1536xf32, #tpu.memory_space<vmem>> -> memref<1x1536xf32, #tpu.memory_space<vmem>>
        %dma_wait3A_594 = tpu.memref_squeeze %dma_wait3A_593 : memref<1x1536xf32, #tpu.memory_space<vmem>> -> memref<1536xf32, #tpu.memory_space<vmem>>
        tpu.wait_dma2 semaphore(%arg7 : memref<!tpu.dma_semaphore, #tpu.memory_space<semaphore_mem>>) src(%dma_wait3A_594 : memref<1536xf32, #tpu.memory_space<vmem>>) dst(%dma_wait3A_591 : memref<1536xf32, #tpu.memory_space<hbm>>)
      } else {
      }
      %slice3A_373 = vector.extract_strided_slice %get3A_283 {offsets = [5], sizes = [1], strides = [1]} : vector<16xi32> to vector<1xi32>
      %squeeze3A_374 = vector.extract %slice3A_373[0] : i32 from vector<1xi32>
      %add3A_375 = arith.constant 5 : i32
      %add3A_376 = arith.addi %add3A_280, %add3A_375 : i32
      %dma_start3A_377 = arith.constant 0 : i32
      %dma_start3A_378 = tpu.memref_slice %arg6[%squeeze3A_374, %dma_start3A_377] : memref<50x1536xf32, #tpu.memory_space<vmem>> -> memref<1x1536xf32, #tpu.memory_space<vmem>>
      %dma_start3A_379 = tpu.memref_squeeze %dma_start3A_378 : memref<1x1536xf32, #tpu.memory_space<vmem>> -> memref<1536xf32, #tpu.memory_space<vmem>>
      %dma_start3A_380 = tpu.memref_slice %arg4[%select_n3A_272, %add3A_376, %mul3A_32] : memref<50x64x24576xf32, #tpu.memory_space<hbm>> -> memref<1x1x1536xf32, #tpu.memory_space<hbm>>
      %dma_start3A_381 = tpu.memref_squeeze %dma_start3A_380 : memref<1x1x1536xf32, #tpu.memory_space<hbm>> -> memref<1536xf32, #tpu.memory_space<hbm>>
      %dma_start3A_382 = tpu.memref_slice %arg4[%select_n3A_272, %add3A_376, %mul3A_32] : memref<50x64x24576xf32, #tpu.memory_space<hbm>> -> memref<1x1x1536xf32, #tpu.memory_space<hbm>>
      %dma_start3A_383 = tpu.memref_squeeze %dma_start3A_382 : memref<1x1x1536xf32, #tpu.memory_space<hbm>> -> memref<1536xf32, #tpu.memory_space<hbm>>
      %dma_start3A_384 = arith.constant 0 : i32
      %dma_start3A_385 = tpu.memref_slice %arg6[%squeeze3A_374, %dma_start3A_384] : memref<50x1536xf32, #tpu.memory_space<vmem>> -> memref<1x1536xf32, #tpu.memory_space<vmem>>
      %dma_start3A_386 = tpu.memref_squeeze %dma_start3A_385 : memref<1x1536xf32, #tpu.memory_space<vmem>> -> memref<1536xf32, #tpu.memory_space<vmem>>
      tpu.enqueue_dma source(%dma_start3A_386 : memref<1536xf32, #tpu.memory_space<vmem>>) target(%dma_start3A_383 : memref<1536xf32, #tpu.memory_space<hbm>>) target_semaphore(%arg7 : memref<!tpu.dma_semaphore, #tpu.memory_space<semaphore_mem>>)
      %gt3A_387 = arith.constant 0 : i32
      %gt3A_388 = arith.cmpi sgt, %add3A_248, %gt3A_387 : i32
      %convert_element_type3A_389 = arith.extui %gt3A_388 : i1 to i32
      %cond3A_390 = arith.constant 0 : i32
      %cond3A_391 = arith.cmpi ne, %convert_element_type3A_389, %cond3A_390 : i32
      scf.if %cond3A_391 {
        %dma_wait3A_582 = arith.constant 0 : i32
        %dma_wait3A_583 = arith.constant 0 : i32
        %dma_wait3A_584 = arith.constant 0 : i32
        %dma_wait3A_585 = arith.constant 0 : i32
        %dma_wait3A_586 = tpu.memref_slice %arg6[%dma_wait3A_582, %dma_wait3A_585] : memref<50x1536xf32, #tpu.memory_space<vmem>> -> memref<1x1536xf32, #tpu.memory_space<vmem>>
        %dma_wait3A_587 = tpu.memref_squeeze %dma_wait3A_586 : memref<1x1536xf32, #tpu.memory_space<vmem>> -> memref<1536xf32, #tpu.memory_space<vmem>>
        %dma_wait3A_588 = tpu.memref_slice %arg4[%dma_wait3A_583, %dma_wait3A_584, %mul3A_32] : memref<50x64x24576xf32, #tpu.memory_space<hbm>> -> memref<1x1x1536xf32, #tpu.memory_space<hbm>>
        %dma_wait3A_589 = tpu.memref_squeeze %dma_wait3A_588 : memref<1x1x1536xf32, #tpu.memory_space<hbm>> -> memref<1536xf32, #tpu.memory_space<hbm>>
        %dma_wait3A_590 = tpu.memref_slice %arg4[%dma_wait3A_583, %dma_wait3A_584, %mul3A_32] : memref<50x64x24576xf32, #tpu.memory_space<hbm>> -> memref<1x1x1536xf32, #tpu.memory_space<hbm>>
        %dma_wait3A_591 = tpu.memref_squeeze %dma_wait3A_590 : memref<1x1x1536xf32, #tpu.memory_space<hbm>> -> memref<1536xf32, #tpu.memory_space<hbm>>
        %dma_wait3A_592 = arith.constant 0 : i32
        %dma_wait3A_593 = tpu.memref_slice %arg6[%dma_wait3A_582, %dma_wait3A_592] : memref<50x1536xf32, #tpu.memory_space<vmem>> -> memref<1x1536xf32, #tpu.memory_space<vmem>>
        %dma_wait3A_594 = tpu.memref_squeeze %dma_wait3A_593 : memref<1x1536xf32, #tpu.memory_space<vmem>> -> memref<1536xf32, #tpu.memory_space<vmem>>
        tpu.wait_dma2 semaphore(%arg7 : memref<!tpu.dma_semaphore, #tpu.memory_space<semaphore_mem>>) src(%dma_wait3A_594 : memref<1536xf32, #tpu.memory_space<vmem>>) dst(%dma_wait3A_591 : memref<1536xf32, #tpu.memory_space<hbm>>)
      } else {
      }
      %slice3A_392 = vector.extract_strided_slice %get3A_283 {offsets = [6], sizes = [1], strides = [1]} : vector<16xi32> to vector<1xi32>
      %squeeze3A_393 = vector.extract %slice3A_392[0] : i32 from vector<1xi32>
      %add3A_394 = arith.constant 6 : i32
      %add3A_395 = arith.addi %add3A_280, %add3A_394 : i32
      %dma_start3A_396 = arith.constant 0 : i32
      %dma_start3A_397 = tpu.memref_slice %arg6[%squeeze3A_393, %dma_start3A_396] : memref<50x1536xf32, #tpu.memory_space<vmem>> -> memref<1x1536xf32, #tpu.memory_space<vmem>>
      %dma_start3A_398 = tpu.memref_squeeze %dma_start3A_397 : memref<1x1536xf32, #tpu.memory_space<vmem>> -> memref<1536xf32, #tpu.memory_space<vmem>>
      %dma_start3A_399 = tpu.memref_slice %arg4[%select_n3A_272, %add3A_395, %mul3A_32] : memref<50x64x24576xf32, #tpu.memory_space<hbm>> -> memref<1x1x1536xf32, #tpu.memory_space<hbm>>
      %dma_start3A_400 = tpu.memref_squeeze %dma_start3A_399 : memref<1x1x1536xf32, #tpu.memory_space<hbm>> -> memref<1536xf32, #tpu.memory_space<hbm>>
      %dma_start3A_401 = tpu.memref_slice %arg4[%select_n3A_272, %add3A_395, %mul3A_32] : memref<50x64x24576xf32, #tpu.memory_space<hbm>> -> memref<1x1x1536xf32, #tpu.memory_space<hbm>>
      %dma_start3A_402 = tpu.memref_squeeze %dma_start3A_401 : memref<1x1x1536xf32, #tpu.memory_space<hbm>> -> memref<1536xf32, #tpu.memory_space<hbm>>
      %dma_start3A_403 = arith.constant 0 : i32
      %dma_start3A_404 = tpu.memref_slice %arg6[%squeeze3A_393, %dma_start3A_403] : memref<50x1536xf32, #tpu.memory_space<vmem>> -> memref<1x1536xf32, #tpu.memory_space<vmem>>
      %dma_start3A_405 = tpu.memref_squeeze %dma_start3A_404 : memref<1x1536xf32, #tpu.memory_space<vmem>> -> memref<1536xf32, #tpu.memory_space<vmem>>
      tpu.enqueue_dma source(%dma_start3A_405 : memref<1536xf32, #tpu.memory_space<vmem>>) target(%dma_start3A_402 : memref<1536xf32, #tpu.memory_space<hbm>>) target_semaphore(%arg7 : memref<!tpu.dma_semaphore, #tpu.memory_space<semaphore_mem>>)
      %gt3A_406 = arith.constant 0 : i32
      %gt3A_407 = arith.cmpi sgt, %add3A_248, %gt3A_406 : i32
      %convert_element_type3A_408 = arith.extui %gt3A_407 : i1 to i32
      %cond3A_409 = arith.constant 0 : i32
      %cond3A_410 = arith.cmpi ne, %convert_element_type3A_408, %cond3A_409 : i32
      scf.if %cond3A_410 {
        %dma_wait3A_582 = arith.constant 0 : i32
        %dma_wait3A_583 = arith.constant 0 : i32
        %dma_wait3A_584 = arith.constant 0 : i32
        %dma_wait3A_585 = arith.constant 0 : i32
        %dma_wait3A_586 = tpu.memref_slice %arg6[%dma_wait3A_582, %dma_wait3A_585] : memref<50x1536xf32, #tpu.memory_space<vmem>> -> memref<1x1536xf32, #tpu.memory_space<vmem>>
        %dma_wait3A_587 = tpu.memref_squeeze %dma_wait3A_586 : memref<1x1536xf32, #tpu.memory_space<vmem>> -> memref<1536xf32, #tpu.memory_space<vmem>>
        %dma_wait3A_588 = tpu.memref_slice %arg4[%dma_wait3A_583, %dma_wait3A_584, %mul3A_32] : memref<50x64x24576xf32, #tpu.memory_space<hbm>> -> memref<1x1x1536xf32, #tpu.memory_space<hbm>>
        %dma_wait3A_589 = tpu.memref_squeeze %dma_wait3A_588 : memref<1x1x1536xf32, #tpu.memory_space<hbm>> -> memref<1536xf32, #tpu.memory_space<hbm>>
        %dma_wait3A_590 = tpu.memref_slice %arg4[%dma_wait3A_583, %dma_wait3A_584, %mul3A_32] : memref<50x64x24576xf32, #tpu.memory_space<hbm>> -> memref<1x1x1536xf32, #tpu.memory_space<hbm>>
        %dma_wait3A_591 = tpu.memref_squeeze %dma_wait3A_590 : memref<1x1x1536xf32, #tpu.memory_space<hbm>> -> memref<1536xf32, #tpu.memory_space<hbm>>
        %dma_wait3A_592 = arith.constant 0 : i32
        %dma_wait3A_593 = tpu.memref_slice %arg6[%dma_wait3A_582, %dma_wait3A_592] : memref<50x1536xf32, #tpu.memory_space<vmem>> -> memref<1x1536xf32, #tpu.memory_space<vmem>>
        %dma_wait3A_594 = tpu.memref_squeeze %dma_wait3A_593 : memref<1x1536xf32, #tpu.memory_space<vmem>> -> memref<1536xf32, #tpu.memory_space<vmem>>
        tpu.wait_dma2 semaphore(%arg7 : memref<!tpu.dma_semaphore, #tpu.memory_space<semaphore_mem>>) src(%dma_wait3A_594 : memref<1536xf32, #tpu.memory_space<vmem>>) dst(%dma_wait3A_591 : memref<1536xf32, #tpu.memory_space<hbm>>)
      } else {
      }
      %slice3A_411 = vector.extract_strided_slice %get3A_283 {offsets = [7], sizes = [1], strides = [1]} : vector<16xi32> to vector<1xi32>
      %squeeze3A_412 = vector.extract %slice3A_411[0] : i32 from vector<1xi32>
      %add3A_413 = arith.constant 7 : i32
      %add3A_414 = arith.addi %add3A_280, %add3A_413 : i32
      %dma_start3A_415 = arith.constant 0 : i32
      %dma_start3A_416 = tpu.memref_slice %arg6[%squeeze3A_412, %dma_start3A_415] : memref<50x1536xf32, #tpu.memory_space<vmem>> -> memref<1x1536xf32, #tpu.memory_space<vmem>>
      %dma_start3A_417 = tpu.memref_squeeze %dma_start3A_416 : memref<1x1536xf32, #tpu.memory_space<vmem>> -> memref<1536xf32, #tpu.memory_space<vmem>>
      %dma_start3A_418 = tpu.memref_slice %arg4[%select_n3A_272, %add3A_414, %mul3A_32] : memref<50x64x24576xf32, #tpu.memory_space<hbm>> -> memref<1x1x1536xf32, #tpu.memory_space<hbm>>
      %dma_start3A_419 = tpu.memref_squeeze %dma_start3A_418 : memref<1x1x1536xf32, #tpu.memory_space<hbm>> -> memref<1536xf32, #tpu.memory_space<hbm>>
      %dma_start3A_420 = tpu.memref_slice %arg4[%select_n3A_272, %add3A_414, %mul3A_32] : memref<50x64x24576xf32, #tpu.memory_space<hbm>> -> memref<1x1x1536xf32, #tpu.memory_space<hbm>>
      %dma_start3A_421 = tpu.memref_squeeze %dma_start3A_420 : memref<1x1x1536xf32, #tpu.memory_space<hbm>> -> memref<1536xf32, #tpu.memory_space<hbm>>
      %dma_start3A_422 = arith.constant 0 : i32
      %dma_start3A_423 = tpu.memref_slice %arg6[%squeeze3A_412, %dma_start3A_422] : memref<50x1536xf32, #tpu.memory_space<vmem>> -> memref<1x1536xf32, #tpu.memory_space<vmem>>
      %dma_start3A_424 = tpu.memref_squeeze %dma_start3A_423 : memref<1x1536xf32, #tpu.memory_space<vmem>> -> memref<1536xf32, #tpu.memory_space<vmem>>
      tpu.enqueue_dma source(%dma_start3A_424 : memref<1536xf32, #tpu.memory_space<vmem>>) target(%dma_start3A_421 : memref<1536xf32, #tpu.memory_space<hbm>>) target_semaphore(%arg7 : memref<!tpu.dma_semaphore, #tpu.memory_space<semaphore_mem>>)
      %gt3A_425 = arith.constant 0 : i32
      %gt3A_426 = arith.cmpi sgt, %add3A_248, %gt3A_425 : i32
      %convert_element_type3A_427 = arith.extui %gt3A_426 : i1 to i32
      %cond3A_428 = arith.constant 0 : i32
      %cond3A_429 = arith.cmpi ne, %convert_element_type3A_427, %cond3A_428 : i32
      scf.if %cond3A_429 {
        %dma_wait3A_582 = arith.constant 0 : i32
        %dma_wait3A_583 = arith.constant 0 : i32
        %dma_wait3A_584 = arith.constant 0 : i32
        %dma_wait3A_585 = arith.constant 0 : i32
        %dma_wait3A_586 = tpu.memref_slice %arg6[%dma_wait3A_582, %dma_wait3A_585] : memref<50x1536xf32, #tpu.memory_space<vmem>> -> memref<1x1536xf32, #tpu.memory_space<vmem>>
        %dma_wait3A_587 = tpu.memref_squeeze %dma_wait3A_586 : memref<1x1536xf32, #tpu.memory_space<vmem>> -> memref<1536xf32, #tpu.memory_space<vmem>>
        %dma_wait3A_588 = tpu.memref_slice %arg4[%dma_wait3A_583, %dma_wait3A_584, %mul3A_32] : memref<50x64x24576xf32, #tpu.memory_space<hbm>> -> memref<1x1x1536xf32, #tpu.memory_space<hbm>>
        %dma_wait3A_589 = tpu.memref_squeeze %dma_wait3A_588 : memref<1x1x1536xf32, #tpu.memory_space<hbm>> -> memref<1536xf32, #tpu.memory_space<hbm>>
        %dma_wait3A_590 = tpu.memref_slice %arg4[%dma_wait3A_583, %dma_wait3A_584, %mul3A_32] : memref<50x64x24576xf32, #tpu.memory_space<hbm>> -> memref<1x1x1536xf32, #tpu.memory_space<hbm>>
        %dma_wait3A_591 = tpu.memref_squeeze %dma_wait3A_590 : memref<1x1x1536xf32, #tpu.memory_space<hbm>> -> memref<1536xf32, #tpu.memory_space<hbm>>
        %dma_wait3A_592 = arith.constant 0 : i32
        %dma_wait3A_593 = tpu.memref_slice %arg6[%dma_wait3A_582, %dma_wait3A_592] : memref<50x1536xf32, #tpu.memory_space<vmem>> -> memref<1x1536xf32, #tpu.memory_space<vmem>>
        %dma_wait3A_594 = tpu.memref_squeeze %dma_wait3A_593 : memref<1x1536xf32, #tpu.memory_space<vmem>> -> memref<1536xf32, #tpu.memory_space<vmem>>
        tpu.wait_dma2 semaphore(%arg7 : memref<!tpu.dma_semaphore, #tpu.memory_space<semaphore_mem>>) src(%dma_wait3A_594 : memref<1536xf32, #tpu.memory_space<vmem>>) dst(%dma_wait3A_591 : memref<1536xf32, #tpu.memory_space<hbm>>)
      } else {
      }
      %slice3A_430 = vector.extract_strided_slice %get3A_283 {offsets = [8], sizes = [1], strides = [1]} : vector<16xi32> to vector<1xi32>
      %squeeze3A_431 = vector.extract %slice3A_430[0] : i32 from vector<1xi32>
      %add3A_432 = arith.constant 8 : i32
      %add3A_433 = arith.addi %add3A_280, %add3A_432 : i32
      %dma_start3A_434 = arith.constant 0 : i32
      %dma_start3A_435 = tpu.memref_slice %arg6[%squeeze3A_431, %dma_start3A_434] : memref<50x1536xf32, #tpu.memory_space<vmem>> -> memref<1x1536xf32, #tpu.memory_space<vmem>>
      %dma_start3A_436 = tpu.memref_squeeze %dma_start3A_435 : memref<1x1536xf32, #tpu.memory_space<vmem>> -> memref<1536xf32, #tpu.memory_space<vmem>>
      %dma_start3A_437 = tpu.memref_slice %arg4[%select_n3A_272, %add3A_433, %mul3A_32] : memref<50x64x24576xf32, #tpu.memory_space<hbm>> -> memref<1x1x1536xf32, #tpu.memory_space<hbm>>
      %dma_start3A_438 = tpu.memref_squeeze %dma_start3A_437 : memref<1x1x1536xf32, #tpu.memory_space<hbm>> -> memref<1536xf32, #tpu.memory_space<hbm>>
      %dma_start3A_439 = tpu.memref_slice %arg4[%select_n3A_272, %add3A_433, %mul3A_32] : memref<50x64x24576xf32, #tpu.memory_space<hbm>> -> memref<1x1x1536xf32, #tpu.memory_space<hbm>>
      %dma_start3A_440 = tpu.memref_squeeze %dma_start3A_439 : memref<1x1x1536xf32, #tpu.memory_space<hbm>> -> memref<1536xf32, #tpu.memory_space<hbm>>
      %dma_start3A_441 = arith.constant 0 : i32
      %dma_start3A_442 = tpu.memref_slice %arg6[%squeeze3A_431, %dma_start3A_441] : memref<50x1536xf32, #tpu.memory_space<vmem>> -> memref<1x1536xf32, #tpu.memory_space<vmem>>
      %dma_start3A_443 = tpu.memref_squeeze %dma_start3A_442 : memref<1x1536xf32, #tpu.memory_space<vmem>> -> memref<1536xf32, #tpu.memory_space<vmem>>
      tpu.enqueue_dma source(%dma_start3A_443 : memref<1536xf32, #tpu.memory_space<vmem>>) target(%dma_start3A_440 : memref<1536xf32, #tpu.memory_space<hbm>>) target_semaphore(%arg7 : memref<!tpu.dma_semaphore, #tpu.memory_space<semaphore_mem>>)
      %gt3A_444 = arith.constant 0 : i32
      %gt3A_445 = arith.cmpi sgt, %add3A_248, %gt3A_444 : i32
      %convert_element_type3A_446 = arith.extui %gt3A_445 : i1 to i32
      %cond3A_447 = arith.constant 0 : i32
      %cond3A_448 = arith.cmpi ne, %convert_element_type3A_446, %cond3A_447 : i32
      scf.if %cond3A_448 {
        %dma_wait3A_582 = arith.constant 0 : i32
        %dma_wait3A_583 = arith.constant 0 : i32
        %dma_wait3A_584 = arith.constant 0 : i32
        %dma_wait3A_585 = arith.constant 0 : i32
        %dma_wait3A_586 = tpu.memref_slice %arg6[%dma_wait3A_582, %dma_wait3A_585] : memref<50x1536xf32, #tpu.memory_space<vmem>> -> memref<1x1536xf32, #tpu.memory_space<vmem>>
        %dma_wait3A_587 = tpu.memref_squeeze %dma_wait3A_586 : memref<1x1536xf32, #tpu.memory_space<vmem>> -> memref<1536xf32, #tpu.memory_space<vmem>>
        %dma_wait3A_588 = tpu.memref_slice %arg4[%dma_wait3A_583, %dma_wait3A_584, %mul3A_32] : memref<50x64x24576xf32, #tpu.memory_space<hbm>> -> memref<1x1x1536xf32, #tpu.memory_space<hbm>>
        %dma_wait3A_589 = tpu.memref_squeeze %dma_wait3A_588 : memref<1x1x1536xf32, #tpu.memory_space<hbm>> -> memref<1536xf32, #tpu.memory_space<hbm>>
        %dma_wait3A_590 = tpu.memref_slice %arg4[%dma_wait3A_583, %dma_wait3A_584, %mul3A_32] : memref<50x64x24576xf32, #tpu.memory_space<hbm>> -> memref<1x1x1536xf32, #tpu.memory_space<hbm>>
        %dma_wait3A_591 = tpu.memref_squeeze %dma_wait3A_590 : memref<1x1x1536xf32, #tpu.memory_space<hbm>> -> memref<1536xf32, #tpu.memory_space<hbm>>
        %dma_wait3A_592 = arith.constant 0 : i32
        %dma_wait3A_593 = tpu.memref_slice %arg6[%dma_wait3A_582, %dma_wait3A_592] : memref<50x1536xf32, #tpu.memory_space<vmem>> -> memref<1x1536xf32, #tpu.memory_space<vmem>>
        %dma_wait3A_594 = tpu.memref_squeeze %dma_wait3A_593 : memref<1x1536xf32, #tpu.memory_space<vmem>> -> memref<1536xf32, #tpu.memory_space<vmem>>
        tpu.wait_dma2 semaphore(%arg7 : memref<!tpu.dma_semaphore, #tpu.memory_space<semaphore_mem>>) src(%dma_wait3A_594 : memref<1536xf32, #tpu.memory_space<vmem>>) dst(%dma_wait3A_591 : memref<1536xf32, #tpu.memory_space<hbm>>)
      } else {
      }
      %slice3A_449 = vector.extract_strided_slice %get3A_283 {offsets = [9], sizes = [1], strides = [1]} : vector<16xi32> to vector<1xi32>
      %squeeze3A_450 = vector.extract %slice3A_449[0] : i32 from vector<1xi32>
      %add3A_451 = arith.constant 9 : i32
      %add3A_452 = arith.addi %add3A_280, %add3A_451 : i32
      %dma_start3A_453 = arith.constant 0 : i32
      %dma_start3A_454 = tpu.memref_slice %arg6[%squeeze3A_450, %dma_start3A_453] : memref<50x1536xf32, #tpu.memory_space<vmem>> -> memref<1x1536xf32, #tpu.memory_space<vmem>>
      %dma_start3A_455 = tpu.memref_squeeze %dma_start3A_454 : memref<1x1536xf32, #tpu.memory_space<vmem>> -> memref<1536xf32, #tpu.memory_space<vmem>>
      %dma_start3A_456 = tpu.memref_slice %arg4[%select_n3A_272, %add3A_452, %mul3A_32] : memref<50x64x24576xf32, #tpu.memory_space<hbm>> -> memref<1x1x1536xf32, #tpu.memory_space<hbm>>
      %dma_start3A_457 = tpu.memref_squeeze %dma_start3A_456 : memref<1x1x1536xf32, #tpu.memory_space<hbm>> -> memref<1536xf32, #tpu.memory_space<hbm>>
      %dma_start3A_458 = tpu.memref_slice %arg4[%select_n3A_272, %add3A_452, %mul3A_32] : memref<50x64x24576xf32, #tpu.memory_space<hbm>> -> memref<1x1x1536xf32, #tpu.memory_space<hbm>>
      %dma_start3A_459 = tpu.memref_squeeze %dma_start3A_458 : memref<1x1x1536xf32, #tpu.memory_space<hbm>> -> memref<1536xf32, #tpu.memory_space<hbm>>
      %dma_start3A_460 = arith.constant 0 : i32
      %dma_start3A_461 = tpu.memref_slice %arg6[%squeeze3A_450, %dma_start3A_460] : memref<50x1536xf32, #tpu.memory_space<vmem>> -> memref<1x1536xf32, #tpu.memory_space<vmem>>
      %dma_start3A_462 = tpu.memref_squeeze %dma_start3A_461 : memref<1x1536xf32, #tpu.memory_space<vmem>> -> memref<1536xf32, #tpu.memory_space<vmem>>
      tpu.enqueue_dma source(%dma_start3A_462 : memref<1536xf32, #tpu.memory_space<vmem>>) target(%dma_start3A_459 : memref<1536xf32, #tpu.memory_space<hbm>>) target_semaphore(%arg7 : memref<!tpu.dma_semaphore, #tpu.memory_space<semaphore_mem>>)
      %gt3A_463 = arith.constant 0 : i32
      %gt3A_464 = arith.cmpi sgt, %add3A_248, %gt3A_463 : i32
      %convert_element_type3A_465 = arith.extui %gt3A_464 : i1 to i32
      %cond3A_466 = arith.constant 0 : i32
      %cond3A_467 = arith.cmpi ne, %convert_element_type3A_465, %cond3A_466 : i32
      scf.if %cond3A_467 {
        %dma_wait3A_582 = arith.constant 0 : i32
        %dma_wait3A_583 = arith.constant 0 : i32
        %dma_wait3A_584 = arith.constant 0 : i32
        %dma_wait3A_585 = arith.constant 0 : i32
        %dma_wait3A_586 = tpu.memref_slice %arg6[%dma_wait3A_582, %dma_wait3A_585] : memref<50x1536xf32, #tpu.memory_space<vmem>> -> memref<1x1536xf32, #tpu.memory_space<vmem>>
        %dma_wait3A_587 = tpu.memref_squeeze %dma_wait3A_586 : memref<1x1536xf32, #tpu.memory_space<vmem>> -> memref<1536xf32, #tpu.memory_space<vmem>>
        %dma_wait3A_588 = tpu.memref_slice %arg4[%dma_wait3A_583, %dma_wait3A_584, %mul3A_32] : memref<50x64x24576xf32, #tpu.memory_space<hbm>> -> memref<1x1x1536xf32, #tpu.memory_space<hbm>>
        %dma_wait3A_589 = tpu.memref_squeeze %dma_wait3A_588 : memref<1x1x1536xf32, #tpu.memory_space<hbm>> -> memref<1536xf32, #tpu.memory_space<hbm>>
        %dma_wait3A_590 = tpu.memref_slice %arg4[%dma_wait3A_583, %dma_wait3A_584, %mul3A_32] : memref<50x64x24576xf32, #tpu.memory_space<hbm>> -> memref<1x1x1536xf32, #tpu.memory_space<hbm>>
        %dma_wait3A_591 = tpu.memref_squeeze %dma_wait3A_590 : memref<1x1x1536xf32, #tpu.memory_space<hbm>> -> memref<1536xf32, #tpu.memory_space<hbm>>
        %dma_wait3A_592 = arith.constant 0 : i32
        %dma_wait3A_593 = tpu.memref_slice %arg6[%dma_wait3A_582, %dma_wait3A_592] : memref<50x1536xf32, #tpu.memory_space<vmem>> -> memref<1x1536xf32, #tpu.memory_space<vmem>>
        %dma_wait3A_594 = tpu.memref_squeeze %dma_wait3A_593 : memref<1x1536xf32, #tpu.memory_space<vmem>> -> memref<1536xf32, #tpu.memory_space<vmem>>
        tpu.wait_dma2 semaphore(%arg7 : memref<!tpu.dma_semaphore, #tpu.memory_space<semaphore_mem>>) src(%dma_wait3A_594 : memref<1536xf32, #tpu.memory_space<vmem>>) dst(%dma_wait3A_591 : memref<1536xf32, #tpu.memory_space<hbm>>)
      } else {
      }
      %slice3A_468 = vector.extract_strided_slice %get3A_283 {offsets = [10], sizes = [1], strides = [1]} : vector<16xi32> to vector<1xi32>
      %squeeze3A_469 = vector.extract %slice3A_468[0] : i32 from vector<1xi32>
      %add3A_470 = arith.constant 10 : i32
      %add3A_471 = arith.addi %add3A_280, %add3A_470 : i32
      %dma_start3A_472 = arith.constant 0 : i32
      %dma_start3A_473 = tpu.memref_slice %arg6[%squeeze3A_469, %dma_start3A_472] : memref<50x1536xf32, #tpu.memory_space<vmem>> -> memref<1x1536xf32, #tpu.memory_space<vmem>>
      %dma_start3A_474 = tpu.memref_squeeze %dma_start3A_473 : memref<1x1536xf32, #tpu.memory_space<vmem>> -> memref<1536xf32, #tpu.memory_space<vmem>>
      %dma_start3A_475 = tpu.memref_slice %arg4[%select_n3A_272, %add3A_471, %mul3A_32] : memref<50x64x24576xf32, #tpu.memory_space<hbm>> -> memref<1x1x1536xf32, #tpu.memory_space<hbm>>
      %dma_start3A_476 = tpu.memref_squeeze %dma_start3A_475 : memref<1x1x1536xf32, #tpu.memory_space<hbm>> -> memref<1536xf32, #tpu.memory_space<hbm>>
      %dma_start3A_477 = tpu.memref_slice %arg4[%select_n3A_272, %add3A_471, %mul3A_32] : memref<50x64x24576xf32, #tpu.memory_space<hbm>> -> memref<1x1x1536xf32, #tpu.memory_space<hbm>>
      %dma_start3A_478 = tpu.memref_squeeze %dma_start3A_477 : memref<1x1x1536xf32, #tpu.memory_space<hbm>> -> memref<1536xf32, #tpu.memory_space<hbm>>
      %dma_start3A_479 = arith.constant 0 : i32
      %dma_start3A_480 = tpu.memref_slice %arg6[%squeeze3A_469, %dma_start3A_479] : memref<50x1536xf32, #tpu.memory_space<vmem>> -> memref<1x1536xf32, #tpu.memory_space<vmem>>
      %dma_start3A_481 = tpu.memref_squeeze %dma_start3A_480 : memref<1x1536xf32, #tpu.memory_space<vmem>> -> memref<1536xf32, #tpu.memory_space<vmem>>
      tpu.enqueue_dma source(%dma_start3A_481 : memref<1536xf32, #tpu.memory_space<vmem>>) target(%dma_start3A_478 : memref<1536xf32, #tpu.memory_space<hbm>>) target_semaphore(%arg7 : memref<!tpu.dma_semaphore, #tpu.memory_space<semaphore_mem>>)
      %gt3A_482 = arith.constant 0 : i32
      %gt3A_483 = arith.cmpi sgt, %add3A_248, %gt3A_482 : i32
      %convert_element_type3A_484 = arith.extui %gt3A_483 : i1 to i32
      %cond3A_485 = arith.constant 0 : i32
      %cond3A_486 = arith.cmpi ne, %convert_element_type3A_484, %cond3A_485 : i32
      scf.if %cond3A_486 {
        %dma_wait3A_582 = arith.constant 0 : i32
        %dma_wait3A_583 = arith.constant 0 : i32
        %dma_wait3A_584 = arith.constant 0 : i32
        %dma_wait3A_585 = arith.constant 0 : i32
        %dma_wait3A_586 = tpu.memref_slice %arg6[%dma_wait3A_582, %dma_wait3A_585] : memref<50x1536xf32, #tpu.memory_space<vmem>> -> memref<1x1536xf32, #tpu.memory_space<vmem>>
        %dma_wait3A_587 = tpu.memref_squeeze %dma_wait3A_586 : memref<1x1536xf32, #tpu.memory_space<vmem>> -> memref<1536xf32, #tpu.memory_space<vmem>>
        %dma_wait3A_588 = tpu.memref_slice %arg4[%dma_wait3A_583, %dma_wait3A_584, %mul3A_32] : memref<50x64x24576xf32, #tpu.memory_space<hbm>> -> memref<1x1x1536xf32, #tpu.memory_space<hbm>>
        %dma_wait3A_589 = tpu.memref_squeeze %dma_wait3A_588 : memref<1x1x1536xf32, #tpu.memory_space<hbm>> -> memref<1536xf32, #tpu.memory_space<hbm>>
        %dma_wait3A_590 = tpu.memref_slice %arg4[%dma_wait3A_583, %dma_wait3A_584, %mul3A_32] : memref<50x64x24576xf32, #tpu.memory_space<hbm>> -> memref<1x1x1536xf32, #tpu.memory_space<hbm>>
        %dma_wait3A_591 = tpu.memref_squeeze %dma_wait3A_590 : memref<1x1x1536xf32, #tpu.memory_space<hbm>> -> memref<1536xf32, #tpu.memory_space<hbm>>
        %dma_wait3A_592 = arith.constant 0 : i32
        %dma_wait3A_593 = tpu.memref_slice %arg6[%dma_wait3A_582, %dma_wait3A_592] : memref<50x1536xf32, #tpu.memory_space<vmem>> -> memref<1x1536xf32, #tpu.memory_space<vmem>>
        %dma_wait3A_594 = tpu.memref_squeeze %dma_wait3A_593 : memref<1x1536xf32, #tpu.memory_space<vmem>> -> memref<1536xf32, #tpu.memory_space<vmem>>
        tpu.wait_dma2 semaphore(%arg7 : memref<!tpu.dma_semaphore, #tpu.memory_space<semaphore_mem>>) src(%dma_wait3A_594 : memref<1536xf32, #tpu.memory_space<vmem>>) dst(%dma_wait3A_591 : memref<1536xf32, #tpu.memory_space<hbm>>)
      } else {
      }
      %slice3A_487 = vector.extract_strided_slice %get3A_283 {offsets = [11], sizes = [1], strides = [1]} : vector<16xi32> to vector<1xi32>
      %squeeze3A_488 = vector.extract %slice3A_487[0] : i32 from vector<1xi32>
      %add3A_489 = arith.constant 11 : i32
      %add3A_490 = arith.addi %add3A_280, %add3A_489 : i32
      %dma_start3A_491 = arith.constant 0 : i32
      %dma_start3A_492 = tpu.memref_slice %arg6[%squeeze3A_488, %dma_start3A_491] : memref<50x1536xf32, #tpu.memory_space<vmem>> -> memref<1x1536xf32, #tpu.memory_space<vmem>>
      %dma_start3A_493 = tpu.memref_squeeze %dma_start3A_492 : memref<1x1536xf32, #tpu.memory_space<vmem>> -> memref<1536xf32, #tpu.memory_space<vmem>>
      %dma_start3A_494 = tpu.memref_slice %arg4[%select_n3A_272, %add3A_490, %mul3A_32] : memref<50x64x24576xf32, #tpu.memory_space<hbm>> -> memref<1x1x1536xf32, #tpu.memory_space<hbm>>
      %dma_start3A_495 = tpu.memref_squeeze %dma_start3A_494 : memref<1x1x1536xf32, #tpu.memory_space<hbm>> -> memref<1536xf32, #tpu.memory_space<hbm>>
      %dma_start3A_496 = tpu.memref_slice %arg4[%select_n3A_272, %add3A_490, %mul3A_32] : memref<50x64x24576xf32, #tpu.memory_space<hbm>> -> memref<1x1x1536xf32, #tpu.memory_space<hbm>>
      %dma_start3A_497 = tpu.memref_squeeze %dma_start3A_496 : memref<1x1x1536xf32, #tpu.memory_space<hbm>> -> memref<1536xf32, #tpu.memory_space<hbm>>
      %dma_start3A_498 = arith.constant 0 : i32
      %dma_start3A_499 = tpu.memref_slice %arg6[%squeeze3A_488, %dma_start3A_498] : memref<50x1536xf32, #tpu.memory_space<vmem>> -> memref<1x1536xf32, #tpu.memory_space<vmem>>
      %dma_start3A_500 = tpu.memref_squeeze %dma_start3A_499 : memref<1x1536xf32, #tpu.memory_space<vmem>> -> memref<1536xf32, #tpu.memory_space<vmem>>
      tpu.enqueue_dma source(%dma_start3A_500 : memref<1536xf32, #tpu.memory_space<vmem>>) target(%dma_start3A_497 : memref<1536xf32, #tpu.memory_space<hbm>>) target_semaphore(%arg7 : memref<!tpu.dma_semaphore, #tpu.memory_space<semaphore_mem>>)
      %gt3A_501 = arith.constant 0 : i32
      %gt3A_502 = arith.cmpi sgt, %add3A_248, %gt3A_501 : i32
      %convert_element_type3A_503 = arith.extui %gt3A_502 : i1 to i32
      %cond3A_504 = arith.constant 0 : i32
      %cond3A_505 = arith.cmpi ne, %convert_element_type3A_503, %cond3A_504 : i32
      scf.if %cond3A_505 {
        %dma_wait3A_582 = arith.constant 0 : i32
        %dma_wait3A_583 = arith.constant 0 : i32
        %dma_wait3A_584 = arith.constant 0 : i32
        %dma_wait3A_585 = arith.constant 0 : i32
        %dma_wait3A_586 = tpu.memref_slice %arg6[%dma_wait3A_582, %dma_wait3A_585] : memref<50x1536xf32, #tpu.memory_space<vmem>> -> memref<1x1536xf32, #tpu.memory_space<vmem>>
        %dma_wait3A_587 = tpu.memref_squeeze %dma_wait3A_586 : memref<1x1536xf32, #tpu.memory_space<vmem>> -> memref<1536xf32, #tpu.memory_space<vmem>>
        %dma_wait3A_588 = tpu.memref_slice %arg4[%dma_wait3A_583, %dma_wait3A_584, %mul3A_32] : memref<50x64x24576xf32, #tpu.memory_space<hbm>> -> memref<1x1x1536xf32, #tpu.memory_space<hbm>>
        %dma_wait3A_589 = tpu.memref_squeeze %dma_wait3A_588 : memref<1x1x1536xf32, #tpu.memory_space<hbm>> -> memref<1536xf32, #tpu.memory_space<hbm>>
        %dma_wait3A_590 = tpu.memref_slice %arg4[%dma_wait3A_583, %dma_wait3A_584, %mul3A_32] : memref<50x64x24576xf32, #tpu.memory_space<hbm>> -> memref<1x1x1536xf32, #tpu.memory_space<hbm>>
        %dma_wait3A_591 = tpu.memref_squeeze %dma_wait3A_590 : memref<1x1x1536xf32, #tpu.memory_space<hbm>> -> memref<1536xf32, #tpu.memory_space<hbm>>
        %dma_wait3A_592 = arith.constant 0 : i32
        %dma_wait3A_593 = tpu.memref_slice %arg6[%dma_wait3A_582, %dma_wait3A_592] : memref<50x1536xf32, #tpu.memory_space<vmem>> -> memref<1x1536xf32, #tpu.memory_space<vmem>>
        %dma_wait3A_594 = tpu.memref_squeeze %dma_wait3A_593 : memref<1x1536xf32, #tpu.memory_space<vmem>> -> memref<1536xf32, #tpu.memory_space<vmem>>
        tpu.wait_dma2 semaphore(%arg7 : memref<!tpu.dma_semaphore, #tpu.memory_space<semaphore_mem>>) src(%dma_wait3A_594 : memref<1536xf32, #tpu.memory_space<vmem>>) dst(%dma_wait3A_591 : memref<1536xf32, #tpu.memory_space<hbm>>)
      } else {
      }
      %slice3A_506 = vector.extract_strided_slice %get3A_283 {offsets = [12], sizes = [1], strides = [1]} : vector<16xi32> to vector<1xi32>
      %squeeze3A_507 = vector.extract %slice3A_506[0] : i32 from vector<1xi32>
      %add3A_508 = arith.constant 12 : i32
      %add3A_509 = arith.addi %add3A_280, %add3A_508 : i32
      %dma_start3A_510 = arith.constant 0 : i32
      %dma_start3A_511 = tpu.memref_slice %arg6[%squeeze3A_507, %dma_start3A_510] : memref<50x1536xf32, #tpu.memory_space<vmem>> -> memref<1x1536xf32, #tpu.memory_space<vmem>>
      %dma_start3A_512 = tpu.memref_squeeze %dma_start3A_511 : memref<1x1536xf32, #tpu.memory_space<vmem>> -> memref<1536xf32, #tpu.memory_space<vmem>>
      %dma_start3A_513 = tpu.memref_slice %arg4[%select_n3A_272, %add3A_509, %mul3A_32] : memref<50x64x24576xf32, #tpu.memory_space<hbm>> -> memref<1x1x1536xf32, #tpu.memory_space<hbm>>
      %dma_start3A_514 = tpu.memref_squeeze %dma_start3A_513 : memref<1x1x1536xf32, #tpu.memory_space<hbm>> -> memref<1536xf32, #tpu.memory_space<hbm>>
      %dma_start3A_515 = tpu.memref_slice %arg4[%select_n3A_272, %add3A_509, %mul3A_32] : memref<50x64x24576xf32, #tpu.memory_space<hbm>> -> memref<1x1x1536xf32, #tpu.memory_space<hbm>>
      %dma_start3A_516 = tpu.memref_squeeze %dma_start3A_515 : memref<1x1x1536xf32, #tpu.memory_space<hbm>> -> memref<1536xf32, #tpu.memory_space<hbm>>
      %dma_start3A_517 = arith.constant 0 : i32
      %dma_start3A_518 = tpu.memref_slice %arg6[%squeeze3A_507, %dma_start3A_517] : memref<50x1536xf32, #tpu.memory_space<vmem>> -> memref<1x1536xf32, #tpu.memory_space<vmem>>
      %dma_start3A_519 = tpu.memref_squeeze %dma_start3A_518 : memref<1x1536xf32, #tpu.memory_space<vmem>> -> memref<1536xf32, #tpu.memory_space<vmem>>
      tpu.enqueue_dma source(%dma_start3A_519 : memref<1536xf32, #tpu.memory_space<vmem>>) target(%dma_start3A_516 : memref<1536xf32, #tpu.memory_space<hbm>>) target_semaphore(%arg7 : memref<!tpu.dma_semaphore, #tpu.memory_space<semaphore_mem>>)
      %gt3A_520 = arith.constant 0 : i32
      %gt3A_521 = arith.cmpi sgt, %add3A_248, %gt3A_520 : i32
      %convert_element_type3A_522 = arith.extui %gt3A_521 : i1 to i32
      %cond3A_523 = arith.constant 0 : i32
      %cond3A_524 = arith.cmpi ne, %convert_element_type3A_522, %cond3A_523 : i32
      scf.if %cond3A_524 {
        %dma_wait3A_582 = arith.constant 0 : i32
        %dma_wait3A_583 = arith.constant 0 : i32
        %dma_wait3A_584 = arith.constant 0 : i32
        %dma_wait3A_585 = arith.constant 0 : i32
        %dma_wait3A_586 = tpu.memref_slice %arg6[%dma_wait3A_582, %dma_wait3A_585] : memref<50x1536xf32, #tpu.memory_space<vmem>> -> memref<1x1536xf32, #tpu.memory_space<vmem>>
        %dma_wait3A_587 = tpu.memref_squeeze %dma_wait3A_586 : memref<1x1536xf32, #tpu.memory_space<vmem>> -> memref<1536xf32, #tpu.memory_space<vmem>>
        %dma_wait3A_588 = tpu.memref_slice %arg4[%dma_wait3A_583, %dma_wait3A_584, %mul3A_32] : memref<50x64x24576xf32, #tpu.memory_space<hbm>> -> memref<1x1x1536xf32, #tpu.memory_space<hbm>>
        %dma_wait3A_589 = tpu.memref_squeeze %dma_wait3A_588 : memref<1x1x1536xf32, #tpu.memory_space<hbm>> -> memref<1536xf32, #tpu.memory_space<hbm>>
        %dma_wait3A_590 = tpu.memref_slice %arg4[%dma_wait3A_583, %dma_wait3A_584, %mul3A_32] : memref<50x64x24576xf32, #tpu.memory_space<hbm>> -> memref<1x1x1536xf32, #tpu.memory_space<hbm>>
        %dma_wait3A_591 = tpu.memref_squeeze %dma_wait3A_590 : memref<1x1x1536xf32, #tpu.memory_space<hbm>> -> memref<1536xf32, #tpu.memory_space<hbm>>
        %dma_wait3A_592 = arith.constant 0 : i32
        %dma_wait3A_593 = tpu.memref_slice %arg6[%dma_wait3A_582, %dma_wait3A_592] : memref<50x1536xf32, #tpu.memory_space<vmem>> -> memref<1x1536xf32, #tpu.memory_space<vmem>>
        %dma_wait3A_594 = tpu.memref_squeeze %dma_wait3A_593 : memref<1x1536xf32, #tpu.memory_space<vmem>> -> memref<1536xf32, #tpu.memory_space<vmem>>
        tpu.wait_dma2 semaphore(%arg7 : memref<!tpu.dma_semaphore, #tpu.memory_space<semaphore_mem>>) src(%dma_wait3A_594 : memref<1536xf32, #tpu.memory_space<vmem>>) dst(%dma_wait3A_591 : memref<1536xf32, #tpu.memory_space<hbm>>)
      } else {
      }
      %slice3A_525 = vector.extract_strided_slice %get3A_283 {offsets = [13], sizes = [1], strides = [1]} : vector<16xi32> to vector<1xi32>
      %squeeze3A_526 = vector.extract %slice3A_525[0] : i32 from vector<1xi32>
      %add3A_527 = arith.constant 13 : i32
      %add3A_528 = arith.addi %add3A_280, %add3A_527 : i32
      %dma_start3A_529 = arith.constant 0 : i32
      %dma_start3A_530 = tpu.memref_slice %arg6[%squeeze3A_526, %dma_start3A_529] : memref<50x1536xf32, #tpu.memory_space<vmem>> -> memref<1x1536xf32, #tpu.memory_space<vmem>>
      %dma_start3A_531 = tpu.memref_squeeze %dma_start3A_530 : memref<1x1536xf32, #tpu.memory_space<vmem>> -> memref<1536xf32, #tpu.memory_space<vmem>>
      %dma_start3A_532 = tpu.memref_slice %arg4[%select_n3A_272, %add3A_528, %mul3A_32] : memref<50x64x24576xf32, #tpu.memory_space<hbm>> -> memref<1x1x1536xf32, #tpu.memory_space<hbm>>
      %dma_start3A_533 = tpu.memref_squeeze %dma_start3A_532 : memref<1x1x1536xf32, #tpu.memory_space<hbm>> -> memref<1536xf32, #tpu.memory_space<hbm>>
      %dma_start3A_534 = tpu.memref_slice %arg4[%select_n3A_272, %add3A_528, %mul3A_32] : memref<50x64x24576xf32, #tpu.memory_space<hbm>> -> memref<1x1x1536xf32, #tpu.memory_space<hbm>>
      %dma_start3A_535 = tpu.memref_squeeze %dma_start3A_534 : memref<1x1x1536xf32, #tpu.memory_space<hbm>> -> memref<1536xf32, #tpu.memory_space<hbm>>
      %dma_start3A_536 = arith.constant 0 : i32
      %dma_start3A_537 = tpu.memref_slice %arg6[%squeeze3A_526, %dma_start3A_536] : memref<50x1536xf32, #tpu.memory_space<vmem>> -> memref<1x1536xf32, #tpu.memory_space<vmem>>
      %dma_start3A_538 = tpu.memref_squeeze %dma_start3A_537 : memref<1x1536xf32, #tpu.memory_space<vmem>> -> memref<1536xf32, #tpu.memory_space<vmem>>
      tpu.enqueue_dma source(%dma_start3A_538 : memref<1536xf32, #tpu.memory_space<vmem>>) target(%dma_start3A_535 : memref<1536xf32, #tpu.memory_space<hbm>>) target_semaphore(%arg7 : memref<!tpu.dma_semaphore, #tpu.memory_space<semaphore_mem>>)
      %gt3A_539 = arith.constant 0 : i32
      %gt3A_540 = arith.cmpi sgt, %add3A_248, %gt3A_539 : i32
      %convert_element_type3A_541 = arith.extui %gt3A_540 : i1 to i32
      %cond3A_542 = arith.constant 0 : i32
      %cond3A_543 = arith.cmpi ne, %convert_element_type3A_541, %cond3A_542 : i32
      scf.if %cond3A_543 {
        %dma_wait3A_582 = arith.constant 0 : i32
        %dma_wait3A_583 = arith.constant 0 : i32
        %dma_wait3A_584 = arith.constant 0 : i32
        %dma_wait3A_585 = arith.constant 0 : i32
        %dma_wait3A_586 = tpu.memref_slice %arg6[%dma_wait3A_582, %dma_wait3A_585] : memref<50x1536xf32, #tpu.memory_space<vmem>> -> memref<1x1536xf32, #tpu.memory_space<vmem>>
        %dma_wait3A_587 = tpu.memref_squeeze %dma_wait3A_586 : memref<1x1536xf32, #tpu.memory_space<vmem>> -> memref<1536xf32, #tpu.memory_space<vmem>>
        %dma_wait3A_588 = tpu.memref_slice %arg4[%dma_wait3A_583, %dma_wait3A_584, %mul3A_32] : memref<50x64x24576xf32, #tpu.memory_space<hbm>> -> memref<1x1x1536xf32, #tpu.memory_space<hbm>>
        %dma_wait3A_589 = tpu.memref_squeeze %dma_wait3A_588 : memref<1x1x1536xf32, #tpu.memory_space<hbm>> -> memref<1536xf32, #tpu.memory_space<hbm>>
        %dma_wait3A_590 = tpu.memref_slice %arg4[%dma_wait3A_583, %dma_wait3A_584, %mul3A_32] : memref<50x64x24576xf32, #tpu.memory_space<hbm>> -> memref<1x1x1536xf32, #tpu.memory_space<hbm>>
        %dma_wait3A_591 = tpu.memref_squeeze %dma_wait3A_590 : memref<1x1x1536xf32, #tpu.memory_space<hbm>> -> memref<1536xf32, #tpu.memory_space<hbm>>
        %dma_wait3A_592 = arith.constant 0 : i32
        %dma_wait3A_593 = tpu.memref_slice %arg6[%dma_wait3A_582, %dma_wait3A_592] : memref<50x1536xf32, #tpu.memory_space<vmem>> -> memref<1x1536xf32, #tpu.memory_space<vmem>>
        %dma_wait3A_594 = tpu.memref_squeeze %dma_wait3A_593 : memref<1x1536xf32, #tpu.memory_space<vmem>> -> memref<1536xf32, #tpu.memory_space<vmem>>
        tpu.wait_dma2 semaphore(%arg7 : memref<!tpu.dma_semaphore, #tpu.memory_space<semaphore_mem>>) src(%dma_wait3A_594 : memref<1536xf32, #tpu.memory_space<vmem>>) dst(%dma_wait3A_591 : memref<1536xf32, #tpu.memory_space<hbm>>)
      } else {
      }
      %slice3A_544 = vector.extract_strided_slice %get3A_283 {offsets = [14], sizes = [1], strides = [1]} : vector<16xi32> to vector<1xi32>
      %squeeze3A_545 = vector.extract %slice3A_544[0] : i32 from vector<1xi32>
      %add3A_546 = arith.constant 14 : i32
      %add3A_547 = arith.addi %add3A_280, %add3A_546 : i32
      %dma_start3A_548 = arith.constant 0 : i32
      %dma_start3A_549 = tpu.memref_slice %arg6[%squeeze3A_545, %dma_start3A_548] : memref<50x1536xf32, #tpu.memory_space<vmem>> -> memref<1x1536xf32, #tpu.memory_space<vmem>>
      %dma_start3A_550 = tpu.memref_squeeze %dma_start3A_549 : memref<1x1536xf32, #tpu.memory_space<vmem>> -> memref<1536xf32, #tpu.memory_space<vmem>>
      %dma_start3A_551 = tpu.memref_slice %arg4[%select_n3A_272, %add3A_547, %mul3A_32] : memref<50x64x24576xf32, #tpu.memory_space<hbm>> -> memref<1x1x1536xf32, #tpu.memory_space<hbm>>
      %dma_start3A_552 = tpu.memref_squeeze %dma_start3A_551 : memref<1x1x1536xf32, #tpu.memory_space<hbm>> -> memref<1536xf32, #tpu.memory_space<hbm>>
      %dma_start3A_553 = tpu.memref_slice %arg4[%select_n3A_272, %add3A_547, %mul3A_32] : memref<50x64x24576xf32, #tpu.memory_space<hbm>> -> memref<1x1x1536xf32, #tpu.memory_space<hbm>>
      %dma_start3A_554 = tpu.memref_squeeze %dma_start3A_553 : memref<1x1x1536xf32, #tpu.memory_space<hbm>> -> memref<1536xf32, #tpu.memory_space<hbm>>
      %dma_start3A_555 = arith.constant 0 : i32
      %dma_start3A_556 = tpu.memref_slice %arg6[%squeeze3A_545, %dma_start3A_555] : memref<50x1536xf32, #tpu.memory_space<vmem>> -> memref<1x1536xf32, #tpu.memory_space<vmem>>
      %dma_start3A_557 = tpu.memref_squeeze %dma_start3A_556 : memref<1x1536xf32, #tpu.memory_space<vmem>> -> memref<1536xf32, #tpu.memory_space<vmem>>
      tpu.enqueue_dma source(%dma_start3A_557 : memref<1536xf32, #tpu.memory_space<vmem>>) target(%dma_start3A_554 : memref<1536xf32, #tpu.memory_space<hbm>>) target_semaphore(%arg7 : memref<!tpu.dma_semaphore, #tpu.memory_space<semaphore_mem>>)
      %gt3A_558 = arith.constant 0 : i32
      %gt3A_559 = arith.cmpi sgt, %add3A_248, %gt3A_558 : i32
      %convert_element_type3A_560 = arith.extui %gt3A_559 : i1 to i32
      %cond3A_561 = arith.constant 0 : i32
      %cond3A_562 = arith.cmpi ne, %convert_element_type3A_560, %cond3A_561 : i32
      scf.if %cond3A_562 {
        %dma_wait3A_582 = arith.constant 0 : i32
        %dma_wait3A_583 = arith.constant 0 : i32
        %dma_wait3A_584 = arith.constant 0 : i32
        %dma_wait3A_585 = arith.constant 0 : i32
        %dma_wait3A_586 = tpu.memref_slice %arg6[%dma_wait3A_582, %dma_wait3A_585] : memref<50x1536xf32, #tpu.memory_space<vmem>> -> memref<1x1536xf32, #tpu.memory_space<vmem>>
        %dma_wait3A_587 = tpu.memref_squeeze %dma_wait3A_586 : memref<1x1536xf32, #tpu.memory_space<vmem>> -> memref<1536xf32, #tpu.memory_space<vmem>>
        %dma_wait3A_588 = tpu.memref_slice %arg4[%dma_wait3A_583, %dma_wait3A_584, %mul3A_32] : memref<50x64x24576xf32, #tpu.memory_space<hbm>> -> memref<1x1x1536xf32, #tpu.memory_space<hbm>>
        %dma_wait3A_589 = tpu.memref_squeeze %dma_wait3A_588 : memref<1x1x1536xf32, #tpu.memory_space<hbm>> -> memref<1536xf32, #tpu.memory_space<hbm>>
        %dma_wait3A_590 = tpu.memref_slice %arg4[%dma_wait3A_583, %dma_wait3A_584, %mul3A_32] : memref<50x64x24576xf32, #tpu.memory_space<hbm>> -> memref<1x1x1536xf32, #tpu.memory_space<hbm>>
        %dma_wait3A_591 = tpu.memref_squeeze %dma_wait3A_590 : memref<1x1x1536xf32, #tpu.memory_space<hbm>> -> memref<1536xf32, #tpu.memory_space<hbm>>
        %dma_wait3A_592 = arith.constant 0 : i32
        %dma_wait3A_593 = tpu.memref_slice %arg6[%dma_wait3A_582, %dma_wait3A_592] : memref<50x1536xf32, #tpu.memory_space<vmem>> -> memref<1x1536xf32, #tpu.memory_space<vmem>>
        %dma_wait3A_594 = tpu.memref_squeeze %dma_wait3A_593 : memref<1x1536xf32, #tpu.memory_space<vmem>> -> memref<1536xf32, #tpu.memory_space<vmem>>
        tpu.wait_dma2 semaphore(%arg7 : memref<!tpu.dma_semaphore, #tpu.memory_space<semaphore_mem>>) src(%dma_wait3A_594 : memref<1536xf32, #tpu.memory_space<vmem>>) dst(%dma_wait3A_591 : memref<1536xf32, #tpu.memory_space<hbm>>)
      } else {
      }
      %slice3A_563 = vector.extract_strided_slice %get3A_283 {offsets = [15], sizes = [1], strides = [1]} : vector<16xi32> to vector<1xi32>
      %squeeze3A_564 = vector.extract %slice3A_563[0] : i32 from vector<1xi32>
      %add3A_565 = arith.constant 15 : i32
      %add3A_566 = arith.addi %add3A_280, %add3A_565 : i32
      %dma_start3A_567 = arith.constant 0 : i32
      %dma_start3A_568 = tpu.memref_slice %arg6[%squeeze3A_564, %dma_start3A_567] : memref<50x1536xf32, #tpu.memory_space<vmem>> -> memref<1x1536xf32, #tpu.memory_space<vmem>>
      %dma_start3A_569 = tpu.memref_squeeze %dma_start3A_568 : memref<1x1536xf32, #tpu.memory_space<vmem>> -> memref<1536xf32, #tpu.memory_space<vmem>>
      %dma_start3A_570 = tpu.memref_slice %arg4[%select_n3A_272, %add3A_566, %mul3A_32] : memref<50x64x24576xf32, #tpu.memory_space<hbm>> -> memref<1x1x1536xf32, #tpu.memory_space<hbm>>
      %dma_start3A_571 = tpu.memref_squeeze %dma_start3A_570 : memref<1x1x1536xf32, #tpu.memory_space<hbm>> -> memref<1536xf32, #tpu.memory_space<hbm>>
      %dma_start3A_572 = tpu.memref_slice %arg4[%select_n3A_272, %add3A_566, %mul3A_32] : memref<50x64x24576xf32, #tpu.memory_space<hbm>> -> memref<1x1x1536xf32, #tpu.memory_space<hbm>>
      %dma_start3A_573 = tpu.memref_squeeze %dma_start3A_572 : memref<1x1x1536xf32, #tpu.memory_space<hbm>> -> memref<1536xf32, #tpu.memory_space<hbm>>
      %dma_start3A_574 = arith.constant 0 : i32
      %dma_start3A_575 = tpu.memref_slice %arg6[%squeeze3A_564, %dma_start3A_574] : memref<50x1536xf32, #tpu.memory_space<vmem>> -> memref<1x1536xf32, #tpu.memory_space<vmem>>
      %dma_start3A_576 = tpu.memref_squeeze %dma_start3A_575 : memref<1x1536xf32, #tpu.memory_space<vmem>> -> memref<1536xf32, #tpu.memory_space<vmem>>
      tpu.enqueue_dma source(%dma_start3A_576 : memref<1536xf32, #tpu.memory_space<vmem>>) target(%dma_start3A_573 : memref<1536xf32, #tpu.memory_space<hbm>>) target_semaphore(%arg7 : memref<!tpu.dma_semaphore, #tpu.memory_space<semaphore_mem>>)
      %gt3A_577 = arith.constant 0 : i32
      %gt3A_578 = arith.cmpi sgt, %add3A_248, %gt3A_577 : i32
      %convert_element_type3A_579 = arith.extui %gt3A_578 : i1 to i32
      %cond3A_580 = arith.constant 0 : i32
      %cond3A_581 = arith.cmpi ne, %convert_element_type3A_579, %cond3A_580 : i32
      scf.if %cond3A_581 {
        %dma_wait3A_582 = arith.constant 0 : i32
        %dma_wait3A_583 = arith.constant 0 : i32
        %dma_wait3A_584 = arith.constant 0 : i32
        %dma_wait3A_585 = arith.constant 0 : i32
        %dma_wait3A_586 = tpu.memref_slice %arg6[%dma_wait3A_582, %dma_wait3A_585] : memref<50x1536xf32, #tpu.memory_space<vmem>> -> memref<1x1536xf32, #tpu.memory_space<vmem>>
        %dma_wait3A_587 = tpu.memref_squeeze %dma_wait3A_586 : memref<1x1536xf32, #tpu.memory_space<vmem>> -> memref<1536xf32, #tpu.memory_space<vmem>>
        %dma_wait3A_588 = tpu.memref_slice %arg4[%dma_wait3A_583, %dma_wait3A_584, %mul3A_32] : memref<50x64x24576xf32, #tpu.memory_space<hbm>> -> memref<1x1x1536xf32, #tpu.memory_space<hbm>>
        %dma_wait3A_589 = tpu.memref_squeeze %dma_wait3A_588 : memref<1x1x1536xf32, #tpu.memory_space<hbm>> -> memref<1536xf32, #tpu.memory_space<hbm>>
        %dma_wait3A_590 = tpu.memref_slice %arg4[%dma_wait3A_583, %dma_wait3A_584, %mul3A_32] : memref<50x64x24576xf32, #tpu.memory_space<hbm>> -> memref<1x1x1536xf32, #tpu.memory_space<hbm>>
        %dma_wait3A_591 = tpu.memref_squeeze %dma_wait3A_590 : memref<1x1x1536xf32, #tpu.memory_space<hbm>> -> memref<1536xf32, #tpu.memory_space<hbm>>
        %dma_wait3A_592 = arith.constant 0 : i32
        %dma_wait3A_593 = tpu.memref_slice %arg6[%dma_wait3A_582, %dma_wait3A_592] : memref<50x1536xf32, #tpu.memory_space<vmem>> -> memref<1x1536xf32, #tpu.memory_space<vmem>>
        %dma_wait3A_594 = tpu.memref_squeeze %dma_wait3A_593 : memref<1x1536xf32, #tpu.memory_space<vmem>> -> memref<1536xf32, #tpu.memory_space<vmem>>
        tpu.wait_dma2 semaphore(%arg7 : memref<!tpu.dma_semaphore, #tpu.memory_space<semaphore_mem>>) src(%dma_wait3A_594 : memref<1536xf32, #tpu.memory_space<vmem>>) dst(%dma_wait3A_591 : memref<1536xf32, #tpu.memory_space<hbm>>)
      } else {
      }
    }
    %scan3A_36 = arith.constant 100 : i32
    %dma_wait3A = arith.constant 0 : i32
    %dma_wait3A_37 = arith.constant 0 : i32
    %dma_wait3A_38 = arith.constant 0 : i32
    %dma_wait3A_39 = arith.constant 0 : i32
    %dma_wait3A_40 = tpu.memref_slice %arg6[%dma_wait3A, %dma_wait3A_39] : memref<50x1536xf32, #tpu.memory_space<vmem>> -> memref<1x1536xf32, #tpu.memory_space<vmem>>
    %dma_wait3A_41 = tpu.memref_squeeze %dma_wait3A_40 : memref<1x1536xf32, #tpu.memory_space<vmem>> -> memref<1536xf32, #tpu.memory_space<vmem>>
    %dma_wait3A_42 = tpu.memref_slice %arg4[%dma_wait3A_37, %dma_wait3A_38, %mul3A_32] : memref<50x64x24576xf32, #tpu.memory_space<hbm>> -> memref<1x1x1536xf32, #tpu.memory_space<hbm>>
    %dma_wait3A_43 = tpu.memref_squeeze %dma_wait3A_42 : memref<1x1x1536xf32, #tpu.memory_space<hbm>> -> memref<1536xf32, #tpu.memory_space<hbm>>
    %dma_wait3A_44 = tpu.memref_slice %arg4[%dma_wait3A_37, %dma_wait3A_38, %mul3A_32] : memref<50x64x24576xf32, #tpu.memory_space<hbm>> -> memref<1x1x1536xf32, #tpu.memory_space<hbm>>
    %dma_wait3A_45 = tpu.memref_squeeze %dma_wait3A_44 : memref<1x1x1536xf32, #tpu.memory_space<hbm>> -> memref<1536xf32, #tpu.memory_space<hbm>>
    %dma_wait3A_46 = arith.constant 0 : i32
    %dma_wait3A_47 = tpu.memref_slice %arg6[%dma_wait3A, %dma_wait3A_46] : memref<50x1536xf32, #tpu.memory_space<vmem>> -> memref<1x1536xf32, #tpu.memory_space<vmem>>
    %dma_wait3A_48 = tpu.memref_squeeze %dma_wait3A_47 : memref<1x1536xf32, #tpu.memory_space<vmem>> -> memref<1536xf32, #tpu.memory_space<vmem>>
    tpu.wait_dma2 semaphore(%arg7 : memref<!tpu.dma_semaphore, #tpu.memory_space<semaphore_mem>>) src(%dma_wait3A_48 : memref<1536xf32, #tpu.memory_space<vmem>>) dst(%dma_wait3A_45 : memref<1536xf32, #tpu.memory_space<hbm>>)
    %dma_wait3A_49 = arith.constant 0 : i32
    %dma_wait3A_50 = arith.constant 0 : i32
    %dma_wait3A_51 = arith.constant 0 : i32
    %dma_wait3A_52 = arith.constant 0 : i32
    %dma_wait3A_53 = tpu.memref_slice %arg6[%dma_wait3A_49, %dma_wait3A_52] : memref<50x1536xf32, #tpu.memory_space<vmem>> -> memref<1x1536xf32, #tpu.memory_space<vmem>>
    %dma_wait3A_54 = tpu.memref_squeeze %dma_wait3A_53 : memref<1x1536xf32, #tpu.memory_space<vmem>> -> memref<1536xf32, #tpu.memory_space<vmem>>
    %dma_wait3A_55 = tpu.memref_slice %arg4[%dma_wait3A_50, %dma_wait3A_51, %mul3A_32] : memref<50x64x24576xf32, #tpu.memory_space<hbm>> -> memref<1x1x1536xf32, #tpu.memory_space<hbm>>
    %dma_wait3A_56 = tpu.memref_squeeze %dma_wait3A_55 : memref<1x1x1536xf32, #tpu.memory_space<hbm>> -> memref<1536xf32, #tpu.memory_space<hbm>>
    %dma_wait3A_57 = tpu.memref_slice %arg4[%dma_wait3A_50, %dma_wait3A_51, %mul3A_32] : memref<50x64x24576xf32, #tpu.memory_space<hbm>> -> memref<1x1x1536xf32, #tpu.memory_space<hbm>>
    %dma_wait3A_58 = tpu.memref_squeeze %dma_wait3A_57 : memref<1x1x1536xf32, #tpu.memory_space<hbm>> -> memref<1536xf32, #tpu.memory_space<hbm>>
    %dma_wait3A_59 = arith.constant 0 : i32
    %dma_wait3A_60 = tpu.memref_slice %arg6[%dma_wait3A_49, %dma_wait3A_59] : memref<50x1536xf32, #tpu.memory_space<vmem>> -> memref<1x1536xf32, #tpu.memory_space<vmem>>
    %dma_wait3A_61 = tpu.memref_squeeze %dma_wait3A_60 : memref<1x1536xf32, #tpu.memory_space<vmem>> -> memref<1536xf32, #tpu.memory_space<vmem>>
    tpu.wait_dma2 semaphore(%arg7 : memref<!tpu.dma_semaphore, #tpu.memory_space<semaphore_mem>>) src(%dma_wait3A_61 : memref<1536xf32, #tpu.memory_space<vmem>>) dst(%dma_wait3A_58 : memref<1536xf32, #tpu.memory_space<hbm>>)
    %dma_wait3A_62 = arith.constant 0 : i32
    %dma_wait3A_63 = arith.constant 0 : i32
    %dma_wait3A_64 = arith.constant 0 : i32
    %dma_wait3A_65 = arith.constant 0 : i32
    %dma_wait3A_66 = tpu.memref_slice %arg6[%dma_wait3A_62, %dma_wait3A_65] : memref<50x1536xf32, #tpu.memory_space<vmem>> -> memref<1x1536xf32, #tpu.memory_space<vmem>>
    %dma_wait3A_67 = tpu.memref_squeeze %dma_wait3A_66 : memref<1x1536xf32, #tpu.memory_space<vmem>> -> memref<1536xf32, #tpu.memory_space<vmem>>
    %dma_wait3A_68 = tpu.memref_slice %arg4[%dma_wait3A_63, %dma_wait3A_64, %mul3A_32] : memref<50x64x24576xf32, #tpu.memory_space<hbm>> -> memref<1x1x1536xf32, #tpu.memory_space<hbm>>
    %dma_wait3A_69 = tpu.memref_squeeze %dma_wait3A_68 : memref<1x1x1536xf32, #tpu.memory_space<hbm>> -> memref<1536xf32, #tpu.memory_space<hbm>>
    %dma_wait3A_70 = tpu.memref_slice %arg4[%dma_wait3A_63, %dma_wait3A_64, %mul3A_32] : memref<50x64x24576xf32, #tpu.memory_space<hbm>> -> memref<1x1x1536xf32, #tpu.memory_space<hbm>>
    %dma_wait3A_71 = tpu.memref_squeeze %dma_wait3A_70 : memref<1x1x1536xf32, #tpu.memory_space<hbm>> -> memref<1536xf32, #tpu.memory_space<hbm>>
    %dma_wait3A_72 = arith.constant 0 : i32
    %dma_wait3A_73 = tpu.memref_slice %arg6[%dma_wait3A_62, %dma_wait3A_72] : memref<50x1536xf32, #tpu.memory_space<vmem>> -> memref<1x1536xf32, #tpu.memory_space<vmem>>
    %dma_wait3A_74 = tpu.memref_squeeze %dma_wait3A_73 : memref<1x1536xf32, #tpu.memory_space<vmem>> -> memref<1536xf32, #tpu.memory_space<vmem>>
    tpu.wait_dma2 semaphore(%arg7 : memref<!tpu.dma_semaphore, #tpu.memory_space<semaphore_mem>>) src(%dma_wait3A_74 : memref<1536xf32, #tpu.memory_space<vmem>>) dst(%dma_wait3A_71 : memref<1536xf32, #tpu.memory_space<hbm>>)
    %dma_wait3A_75 = arith.constant 0 : i32
    %dma_wait3A_76 = arith.constant 0 : i32
    %dma_wait3A_77 = arith.constant 0 : i32
    %dma_wait3A_78 = arith.constant 0 : i32
    %dma_wait3A_79 = tpu.memref_slice %arg6[%dma_wait3A_75, %dma_wait3A_78] : memref<50x1536xf32, #tpu.memory_space<vmem>> -> memref<1x1536xf32, #tpu.memory_space<vmem>>
    %dma_wait3A_80 = tpu.memref_squeeze %dma_wait3A_79 : memref<1x1536xf32, #tpu.memory_space<vmem>> -> memref<1536xf32, #tpu.memory_space<vmem>>
    %dma_wait3A_81 = tpu.memref_slice %arg4[%dma_wait3A_76, %dma_wait3A_77, %mul3A_32] : memref<50x64x24576xf32, #tpu.memory_space<hbm>> -> memref<1x1x1536xf32, #tpu.memory_space<hbm>>
    %dma_wait3A_82 = tpu.memref_squeeze %dma_wait3A_81 : memref<1x1x1536xf32, #tpu.memory_space<hbm>> -> memref<1536xf32, #tpu.memory_space<hbm>>
    %dma_wait3A_83 = tpu.memref_slice %arg4[%dma_wait3A_76, %dma_wait3A_77, %mul3A_32] : memref<50x64x24576xf32, #tpu.memory_space<hbm>> -> memref<1x1x1536xf32, #tpu.memory_space<hbm>>
    %dma_wait3A_84 = tpu.memref_squeeze %dma_wait3A_83 : memref<1x1x1536xf32, #tpu.memory_space<hbm>> -> memref<1536xf32, #tpu.memory_space<hbm>>
    %dma_wait3A_85 = arith.constant 0 : i32
    %dma_wait3A_86 = tpu.memref_slice %arg6[%dma_wait3A_75, %dma_wait3A_85] : memref<50x1536xf32, #tpu.memory_space<vmem>> -> memref<1x1536xf32, #tpu.memory_space<vmem>>
    %dma_wait3A_87 = tpu.memref_squeeze %dma_wait3A_86 : memref<1x1536xf32, #tpu.memory_space<vmem>> -> memref<1536xf32, #tpu.memory_space<vmem>>
    tpu.wait_dma2 semaphore(%arg7 : memref<!tpu.dma_semaphore, #tpu.memory_space<semaphore_mem>>) src(%dma_wait3A_87 : memref<1536xf32, #tpu.memory_space<vmem>>) dst(%dma_wait3A_84 : memref<1536xf32, #tpu.memory_space<hbm>>)
    %dma_wait3A_88 = arith.constant 0 : i32
    %dma_wait3A_89 = arith.constant 0 : i32
    %dma_wait3A_90 = arith.constant 0 : i32
    %dma_wait3A_91 = arith.constant 0 : i32
    %dma_wait3A_92 = tpu.memref_slice %arg6[%dma_wait3A_88, %dma_wait3A_91] : memref<50x1536xf32, #tpu.memory_space<vmem>> -> memref<1x1536xf32, #tpu.memory_space<vmem>>
    %dma_wait3A_93 = tpu.memref_squeeze %dma_wait3A_92 : memref<1x1536xf32, #tpu.memory_space<vmem>> -> memref<1536xf32, #tpu.memory_space<vmem>>
    %dma_wait3A_94 = tpu.memref_slice %arg4[%dma_wait3A_89, %dma_wait3A_90, %mul3A_32] : memref<50x64x24576xf32, #tpu.memory_space<hbm>> -> memref<1x1x1536xf32, #tpu.memory_space<hbm>>
    %dma_wait3A_95 = tpu.memref_squeeze %dma_wait3A_94 : memref<1x1x1536xf32, #tpu.memory_space<hbm>> -> memref<1536xf32, #tpu.memory_space<hbm>>
    %dma_wait3A_96 = tpu.memref_slice %arg4[%dma_wait3A_89, %dma_wait3A_90, %mul3A_32] : memref<50x64x24576xf32, #tpu.memory_space<hbm>> -> memref<1x1x1536xf32, #tpu.memory_space<hbm>>
    %dma_wait3A_97 = tpu.memref_squeeze %dma_wait3A_96 : memref<1x1x1536xf32, #tpu.memory_space<hbm>> -> memref<1536xf32, #tpu.memory_space<hbm>>
    %dma_wait3A_98 = arith.constant 0 : i32
    %dma_wait3A_99 = tpu.memref_slice %arg6[%dma_wait3A_88, %dma_wait3A_98] : memref<50x1536xf32, #tpu.memory_space<vmem>> -> memref<1x1536xf32, #tpu.memory_space<vmem>>
    %dma_wait3A_100 = tpu.memref_squeeze %dma_wait3A_99 : memref<1x1536xf32, #tpu.memory_space<vmem>> -> memref<1536xf32, #tpu.memory_space<vmem>>
    tpu.wait_dma2 semaphore(%arg7 : memref<!tpu.dma_semaphore, #tpu.memory_space<semaphore_mem>>) src(%dma_wait3A_100 : memref<1536xf32, #tpu.memory_space<vmem>>) dst(%dma_wait3A_97 : memref<1536xf32, #tpu.memory_space<hbm>>)
    %dma_wait3A_101 = arith.constant 0 : i32
    %dma_wait3A_102 = arith.constant 0 : i32
    %dma_wait3A_103 = arith.constant 0 : i32
    %dma_wait3A_104 = arith.constant 0 : i32
    %dma_wait3A_105 = tpu.memref_slice %arg6[%dma_wait3A_101, %dma_wait3A_104] : memref<50x1536xf32, #tpu.memory_space<vmem>> -> memref<1x1536xf32, #tpu.memory_space<vmem>>
    %dma_wait3A_106 = tpu.memref_squeeze %dma_wait3A_105 : memref<1x1536xf32, #tpu.memory_space<vmem>> -> memref<1536xf32, #tpu.memory_space<vmem>>
    %dma_wait3A_107 = tpu.memref_slice %arg4[%dma_wait3A_102, %dma_wait3A_103, %mul3A_32] : memref<50x64x24576xf32, #tpu.memory_space<hbm>> -> memref<1x1x1536xf32, #tpu.memory_space<hbm>>
    %dma_wait3A_108 = tpu.memref_squeeze %dma_wait3A_107 : memref<1x1x1536xf32, #tpu.memory_space<hbm>> -> memref<1536xf32, #tpu.memory_space<hbm>>
    %dma_wait3A_109 = tpu.memref_slice %arg4[%dma_wait3A_102, %dma_wait3A_103, %mul3A_32] : memref<50x64x24576xf32, #tpu.memory_space<hbm>> -> memref<1x1x1536xf32, #tpu.memory_space<hbm>>
    %dma_wait3A_110 = tpu.memref_squeeze %dma_wait3A_109 : memref<1x1x1536xf32, #tpu.memory_space<hbm>> -> memref<1536xf32, #tpu.memory_space<hbm>>
    %dma_wait3A_111 = arith.constant 0 : i32
    %dma_wait3A_112 = tpu.memref_slice %arg6[%dma_wait3A_101, %dma_wait3A_111] : memref<50x1536xf32, #tpu.memory_space<vmem>> -> memref<1x1536xf32, #tpu.memory_space<vmem>>
    %dma_wait3A_113 = tpu.memref_squeeze %dma_wait3A_112 : memref<1x1536xf32, #tpu.memory_space<vmem>> -> memref<1536xf32, #tpu.memory_space<vmem>>
    tpu.wait_dma2 semaphore(%arg7 : memref<!tpu.dma_semaphore, #tpu.memory_space<semaphore_mem>>) src(%dma_wait3A_113 : memref<1536xf32, #tpu.memory_space<vmem>>) dst(%dma_wait3A_110 : memref<1536xf32, #tpu.memory_space<hbm>>)
    %dma_wait3A_114 = arith.constant 0 : i32
    %dma_wait3A_115 = arith.constant 0 : i32
    %dma_wait3A_116 = arith.constant 0 : i32
    %dma_wait3A_117 = arith.constant 0 : i32
    %dma_wait3A_118 = tpu.memref_slice %arg6[%dma_wait3A_114, %dma_wait3A_117] : memref<50x1536xf32, #tpu.memory_space<vmem>> -> memref<1x1536xf32, #tpu.memory_space<vmem>>
    %dma_wait3A_119 = tpu.memref_squeeze %dma_wait3A_118 : memref<1x1536xf32, #tpu.memory_space<vmem>> -> memref<1536xf32, #tpu.memory_space<vmem>>
    %dma_wait3A_120 = tpu.memref_slice %arg4[%dma_wait3A_115, %dma_wait3A_116, %mul3A_32] : memref<50x64x24576xf32, #tpu.memory_space<hbm>> -> memref<1x1x1536xf32, #tpu.memory_space<hbm>>
    %dma_wait3A_121 = tpu.memref_squeeze %dma_wait3A_120 : memref<1x1x1536xf32, #tpu.memory_space<hbm>> -> memref<1536xf32, #tpu.memory_space<hbm>>
    %dma_wait3A_122 = tpu.memref_slice %arg4[%dma_wait3A_115, %dma_wait3A_116, %mul3A_32] : memref<50x64x24576xf32, #tpu.memory_space<hbm>> -> memref<1x1x1536xf32, #tpu.memory_space<hbm>>
    %dma_wait3A_123 = tpu.memref_squeeze %dma_wait3A_122 : memref<1x1x1536xf32, #tpu.memory_space<hbm>> -> memref<1536xf32, #tpu.memory_space<hbm>>
    %dma_wait3A_124 = arith.constant 0 : i32
    %dma_wait3A_125 = tpu.memref_slice %arg6[%dma_wait3A_114, %dma_wait3A_124] : memref<50x1536xf32, #tpu.memory_space<vmem>> -> memref<1x1536xf32, #tpu.memory_space<vmem>>
    %dma_wait3A_126 = tpu.memref_squeeze %dma_wait3A_125 : memref<1x1536xf32, #tpu.memory_space<vmem>> -> memref<1536xf32, #tpu.memory_space<vmem>>
    tpu.wait_dma2 semaphore(%arg7 : memref<!tpu.dma_semaphore, #tpu.memory_space<semaphore_mem>>) src(%dma_wait3A_126 : memref<1536xf32, #tpu.memory_space<vmem>>) dst(%dma_wait3A_123 : memref<1536xf32, #tpu.memory_space<hbm>>)
    %dma_wait3A_127 = arith.constant 0 : i32
    %dma_wait3A_128 = arith.constant 0 : i32
    %dma_wait3A_129 = arith.constant 0 : i32
    %dma_wait3A_130 = arith.constant 0 : i32
    %dma_wait3A_131 = tpu.memref_slice %arg6[%dma_wait3A_127, %dma_wait3A_130] : memref<50x1536xf32, #tpu.memory_space<vmem>> -> memref<1x1536xf32, #tpu.memory_space<vmem>>
    %dma_wait3A_132 = tpu.memref_squeeze %dma_wait3A_131 : memref<1x1536xf32, #tpu.memory_space<vmem>> -> memref<1536xf32, #tpu.memory_space<vmem>>
    %dma_wait3A_133 = tpu.memref_slice %arg4[%dma_wait3A_128, %dma_wait3A_129, %mul3A_32] : memref<50x64x24576xf32, #tpu.memory_space<hbm>> -> memref<1x1x1536xf32, #tpu.memory_space<hbm>>
    %dma_wait3A_134 = tpu.memref_squeeze %dma_wait3A_133 : memref<1x1x1536xf32, #tpu.memory_space<hbm>> -> memref<1536xf32, #tpu.memory_space<hbm>>
    %dma_wait3A_135 = tpu.memref_slice %arg4[%dma_wait3A_128, %dma_wait3A_129, %mul3A_32] : memref<50x64x24576xf32, #tpu.memory_space<hbm>> -> memref<1x1x1536xf32, #tpu.memory_space<hbm>>
    %dma_wait3A_136 = tpu.memref_squeeze %dma_wait3A_135 : memref<1x1x1536xf32, #tpu.memory_space<hbm>> -> memref<1536xf32, #tpu.memory_space<hbm>>
    %dma_wait3A_137 = arith.constant 0 : i32
    %dma_wait3A_138 = tpu.memref_slice %arg6[%dma_wait3A_127, %dma_wait3A_137] : memref<50x1536xf32, #tpu.memory_space<vmem>> -> memref<1x1536xf32, #tpu.memory_space<vmem>>
    %dma_wait3A_139 = tpu.memref_squeeze %dma_wait3A_138 : memref<1x1536xf32, #tpu.memory_space<vmem>> -> memref<1536xf32, #tpu.memory_space<vmem>>
    tpu.wait_dma2 semaphore(%arg7 : memref<!tpu.dma_semaphore, #tpu.memory_space<semaphore_mem>>) src(%dma_wait3A_139 : memref<1536xf32, #tpu.memory_space<vmem>>) dst(%dma_wait3A_136 : memref<1536xf32, #tpu.memory_space<hbm>>)
    %dma_wait3A_140 = arith.constant 0 : i32
    %dma_wait3A_141 = arith.constant 0 : i32
    %dma_wait3A_142 = arith.constant 0 : i32
    %dma_wait3A_143 = arith.constant 0 : i32
    %dma_wait3A_144 = tpu.memref_slice %arg6[%dma_wait3A_140, %dma_wait3A_143] : memref<50x1536xf32, #tpu.memory_space<vmem>> -> memref<1x1536xf32, #tpu.memory_space<vmem>>
    %dma_wait3A_145 = tpu.memref_squeeze %dma_wait3A_144 : memref<1x1536xf32, #tpu.memory_space<vmem>> -> memref<1536xf32, #tpu.memory_space<vmem>>
    %dma_wait3A_146 = tpu.memref_slice %arg4[%dma_wait3A_141, %dma_wait3A_142, %mul3A_32] : memref<50x64x24576xf32, #tpu.memory_space<hbm>> -> memref<1x1x1536xf32, #tpu.memory_space<hbm>>
    %dma_wait3A_147 = tpu.memref_squeeze %dma_wait3A_146 : memref<1x1x1536xf32, #tpu.memory_space<hbm>> -> memref<1536xf32, #tpu.memory_space<hbm>>
    %dma_wait3A_148 = tpu.memref_slice %arg4[%dma_wait3A_141, %dma_wait3A_142, %mul3A_32] : memref<50x64x24576xf32, #tpu.memory_space<hbm>> -> memref<1x1x1536xf32, #tpu.memory_space<hbm>>
    %dma_wait3A_149 = tpu.memref_squeeze %dma_wait3A_148 : memref<1x1x1536xf32, #tpu.memory_space<hbm>> -> memref<1536xf32, #tpu.memory_space<hbm>>
    %dma_wait3A_150 = arith.constant 0 : i32
    %dma_wait3A_151 = tpu.memref_slice %arg6[%dma_wait3A_140, %dma_wait3A_150] : memref<50x1536xf32, #tpu.memory_space<vmem>> -> memref<1x1536xf32, #tpu.memory_space<vmem>>
    %dma_wait3A_152 = tpu.memref_squeeze %dma_wait3A_151 : memref<1x1536xf32, #tpu.memory_space<vmem>> -> memref<1536xf32, #tpu.memory_space<vmem>>
    tpu.wait_dma2 semaphore(%arg7 : memref<!tpu.dma_semaphore, #tpu.memory_space<semaphore_mem>>) src(%dma_wait3A_152 : memref<1536xf32, #tpu.memory_space<vmem>>) dst(%dma_wait3A_149 : memref<1536xf32, #tpu.memory_space<hbm>>)
    %dma_wait3A_153 = arith.constant 0 : i32
    %dma_wait3A_154 = arith.constant 0 : i32
    %dma_wait3A_155 = arith.constant 0 : i32
    %dma_wait3A_156 = arith.constant 0 : i32
    %dma_wait3A_157 = tpu.memref_slice %arg6[%dma_wait3A_153, %dma_wait3A_156] : memref<50x1536xf32, #tpu.memory_space<vmem>> -> memref<1x1536xf32, #tpu.memory_space<vmem>>
    %dma_wait3A_158 = tpu.memref_squeeze %dma_wait3A_157 : memref<1x1536xf32, #tpu.memory_space<vmem>> -> memref<1536xf32, #tpu.memory_space<vmem>>
    %dma_wait3A_159 = tpu.memref_slice %arg4[%dma_wait3A_154, %dma_wait3A_155, %mul3A_32] : memref<50x64x24576xf32, #tpu.memory_space<hbm>> -> memref<1x1x1536xf32, #tpu.memory_space<hbm>>
    %dma_wait3A_160 = tpu.memref_squeeze %dma_wait3A_159 : memref<1x1x1536xf32, #tpu.memory_space<hbm>> -> memref<1536xf32, #tpu.memory_space<hbm>>
    %dma_wait3A_161 = tpu.memref_slice %arg4[%dma_wait3A_154, %dma_wait3A_155, %mul3A_32] : memref<50x64x24576xf32, #tpu.memory_space<hbm>> -> memref<1x1x1536xf32, #tpu.memory_space<hbm>>
    %dma_wait3A_162 = tpu.memref_squeeze %dma_wait3A_161 : memref<1x1x1536xf32, #tpu.memory_space<hbm>> -> memref<1536xf32, #tpu.memory_space<hbm>>
    %dma_wait3A_163 = arith.constant 0 : i32
    %dma_wait3A_164 = tpu.memref_slice %arg6[%dma_wait3A_153, %dma_wait3A_163] : memref<50x1536xf32, #tpu.memory_space<vmem>> -> memref<1x1536xf32, #tpu.memory_space<vmem>>
    %dma_wait3A_165 = tpu.memref_squeeze %dma_wait3A_164 : memref<1x1536xf32, #tpu.memory_space<vmem>> -> memref<1536xf32, #tpu.memory_space<vmem>>
    tpu.wait_dma2 semaphore(%arg7 : memref<!tpu.dma_semaphore, #tpu.memory_space<semaphore_mem>>) src(%dma_wait3A_165 : memref<1536xf32, #tpu.memory_space<vmem>>) dst(%dma_wait3A_162 : memref<1536xf32, #tpu.memory_space<hbm>>)
    %dma_wait3A_166 = arith.constant 0 : i32
    %dma_wait3A_167 = arith.constant 0 : i32
    %dma_wait3A_168 = arith.constant 0 : i32
    %dma_wait3A_169 = arith.constant 0 : i32
    %dma_wait3A_170 = tpu.memref_slice %arg6[%dma_wait3A_166, %dma_wait3A_169] : memref<50x1536xf32, #tpu.memory_space<vmem>> -> memref<1x1536xf32, #tpu.memory_space<vmem>>
    %dma_wait3A_171 = tpu.memref_squeeze %dma_wait3A_170 : memref<1x1536xf32, #tpu.memory_space<vmem>> -> memref<1536xf32, #tpu.memory_space<vmem>>
    %dma_wait3A_172 = tpu.memref_slice %arg4[%dma_wait3A_167, %dma_wait3A_168, %mul3A_32] : memref<50x64x24576xf32, #tpu.memory_space<hbm>> -> memref<1x1x1536xf32, #tpu.memory_space<hbm>>
    %dma_wait3A_173 = tpu.memref_squeeze %dma_wait3A_172 : memref<1x1x1536xf32, #tpu.memory_space<hbm>> -> memref<1536xf32, #tpu.memory_space<hbm>>
    %dma_wait3A_174 = tpu.memref_slice %arg4[%dma_wait3A_167, %dma_wait3A_168, %mul3A_32] : memref<50x64x24576xf32, #tpu.memory_space<hbm>> -> memref<1x1x1536xf32, #tpu.memory_space<hbm>>
    %dma_wait3A_175 = tpu.memref_squeeze %dma_wait3A_174 : memref<1x1x1536xf32, #tpu.memory_space<hbm>> -> memref<1536xf32, #tpu.memory_space<hbm>>
    %dma_wait3A_176 = arith.constant 0 : i32
    %dma_wait3A_177 = tpu.memref_slice %arg6[%dma_wait3A_166, %dma_wait3A_176] : memref<50x1536xf32, #tpu.memory_space<vmem>> -> memref<1x1536xf32, #tpu.memory_space<vmem>>
    %dma_wait3A_178 = tpu.memref_squeeze %dma_wait3A_177 : memref<1x1536xf32, #tpu.memory_space<vmem>> -> memref<1536xf32, #tpu.memory_space<vmem>>
    tpu.wait_dma2 semaphore(%arg7 : memref<!tpu.dma_semaphore, #tpu.memory_space<semaphore_mem>>) src(%dma_wait3A_178 : memref<1536xf32, #tpu.memory_space<vmem>>) dst(%dma_wait3A_175 : memref<1536xf32, #tpu.memory_space<hbm>>)
    %dma_wait3A_179 = arith.constant 0 : i32
    %dma_wait3A_180 = arith.constant 0 : i32
    %dma_wait3A_181 = arith.constant 0 : i32
    %dma_wait3A_182 = arith.constant 0 : i32
    %dma_wait3A_183 = tpu.memref_slice %arg6[%dma_wait3A_179, %dma_wait3A_182] : memref<50x1536xf32, #tpu.memory_space<vmem>> -> memref<1x1536xf32, #tpu.memory_space<vmem>>
    %dma_wait3A_184 = tpu.memref_squeeze %dma_wait3A_183 : memref<1x1536xf32, #tpu.memory_space<vmem>> -> memref<1536xf32, #tpu.memory_space<vmem>>
    %dma_wait3A_185 = tpu.memref_slice %arg4[%dma_wait3A_180, %dma_wait3A_181, %mul3A_32] : memref<50x64x24576xf32, #tpu.memory_space<hbm>> -> memref<1x1x1536xf32, #tpu.memory_space<hbm>>
    %dma_wait3A_186 = tpu.memref_squeeze %dma_wait3A_185 : memref<1x1x1536xf32, #tpu.memory_space<hbm>> -> memref<1536xf32, #tpu.memory_space<hbm>>
    %dma_wait3A_187 = tpu.memref_slice %arg4[%dma_wait3A_180, %dma_wait3A_181, %mul3A_32] : memref<50x64x24576xf32, #tpu.memory_space<hbm>> -> memref<1x1x1536xf32, #tpu.memory_space<hbm>>
    %dma_wait3A_188 = tpu.memref_squeeze %dma_wait3A_187 : memref<1x1x1536xf32, #tpu.memory_space<hbm>> -> memref<1536xf32, #tpu.memory_space<hbm>>
    %dma_wait3A_189 = arith.constant 0 : i32
    %dma_wait3A_190 = tpu.memref_slice %arg6[%dma_wait3A_179, %dma_wait3A_189] : memref<50x1536xf32, #tpu.memory_space<vmem>> -> memref<1x1536xf32, #tpu.memory_space<vmem>>
    %dma_wait3A_191 = tpu.memref_squeeze %dma_wait3A_190 : memref<1x1536xf32, #tpu.memory_space<vmem>> -> memref<1536xf32, #tpu.memory_space<vmem>>
    tpu.wait_dma2 semaphore(%arg7 : memref<!tpu.dma_semaphore, #tpu.memory_space<semaphore_mem>>) src(%dma_wait3A_191 : memref<1536xf32, #tpu.memory_space<vmem>>) dst(%dma_wait3A_188 : memref<1536xf32, #tpu.memory_space<hbm>>)
    %dma_wait3A_192 = arith.constant 0 : i32
    %dma_wait3A_193 = arith.constant 0 : i32
    %dma_wait3A_194 = arith.constant 0 : i32
    %dma_wait3A_195 = arith.constant 0 : i32
    %dma_wait3A_196 = tpu.memref_slice %arg6[%dma_wait3A_192, %dma_wait3A_195] : memref<50x1536xf32, #tpu.memory_space<vmem>> -> memref<1x1536xf32, #tpu.memory_space<vmem>>
    %dma_wait3A_197 = tpu.memref_squeeze %dma_wait3A_196 : memref<1x1536xf32, #tpu.memory_space<vmem>> -> memref<1536xf32, #tpu.memory_space<vmem>>
    %dma_wait3A_198 = tpu.memref_slice %arg4[%dma_wait3A_193, %dma_wait3A_194, %mul3A_32] : memref<50x64x24576xf32, #tpu.memory_space<hbm>> -> memref<1x1x1536xf32, #tpu.memory_space<hbm>>
    %dma_wait3A_199 = tpu.memref_squeeze %dma_wait3A_198 : memref<1x1x1536xf32, #tpu.memory_space<hbm>> -> memref<1536xf32, #tpu.memory_space<hbm>>
    %dma_wait3A_200 = tpu.memref_slice %arg4[%dma_wait3A_193, %dma_wait3A_194, %mul3A_32] : memref<50x64x24576xf32, #tpu.memory_space<hbm>> -> memref<1x1x1536xf32, #tpu.memory_space<hbm>>
    %dma_wait3A_201 = tpu.memref_squeeze %dma_wait3A_200 : memref<1x1x1536xf32, #tpu.memory_space<hbm>> -> memref<1536xf32, #tpu.memory_space<hbm>>
    %dma_wait3A_202 = arith.constant 0 : i32
    %dma_wait3A_203 = tpu.memref_slice %arg6[%dma_wait3A_192, %dma_wait3A_202] : memref<50x1536xf32, #tpu.memory_space<vmem>> -> memref<1x1536xf32, #tpu.memory_space<vmem>>
    %dma_wait3A_204 = tpu.memref_squeeze %dma_wait3A_203 : memref<1x1536xf32, #tpu.memory_space<vmem>> -> memref<1536xf32, #tpu.memory_space<vmem>>
    tpu.wait_dma2 semaphore(%arg7 : memref<!tpu.dma_semaphore, #tpu.memory_space<semaphore_mem>>) src(%dma_wait3A_204 : memref<1536xf32, #tpu.memory_space<vmem>>) dst(%dma_wait3A_201 : memref<1536xf32, #tpu.memory_space<hbm>>)
    %dma_wait3A_205 = arith.constant 0 : i32
    %dma_wait3A_206 = arith.constant 0 : i32
    %dma_wait3A_207 = arith.constant 0 : i32
    %dma_wait3A_208 = arith.constant 0 : i32
    %dma_wait3A_209 = tpu.memref_slice %arg6[%dma_wait3A_205, %dma_wait3A_208] : memref<50x1536xf32, #tpu.memory_space<vmem>> -> memref<1x1536xf32, #tpu.memory_space<vmem>>
    %dma_wait3A_210 = tpu.memref_squeeze %dma_wait3A_209 : memref<1x1536xf32, #tpu.memory_space<vmem>> -> memref<1536xf32, #tpu.memory_space<vmem>>
    %dma_wait3A_211 = tpu.memref_slice %arg4[%dma_wait3A_206, %dma_wait3A_207, %mul3A_32] : memref<50x64x24576xf32, #tpu.memory_space<hbm>> -> memref<1x1x1536xf32, #tpu.memory_space<hbm>>
    %dma_wait3A_212 = tpu.memref_squeeze %dma_wait3A_211 : memref<1x1x1536xf32, #tpu.memory_space<hbm>> -> memref<1536xf32, #tpu.memory_space<hbm>>
    %dma_wait3A_213 = tpu.memref_slice %arg4[%dma_wait3A_206, %dma_wait3A_207, %mul3A_32] : memref<50x64x24576xf32, #tpu.memory_space<hbm>> -> memref<1x1x1536xf32, #tpu.memory_space<hbm>>
    %dma_wait3A_214 = tpu.memref_squeeze %dma_wait3A_213 : memref<1x1x1536xf32, #tpu.memory_space<hbm>> -> memref<1536xf32, #tpu.memory_space<hbm>>
    %dma_wait3A_215 = arith.constant 0 : i32
    %dma_wait3A_216 = tpu.memref_slice %arg6[%dma_wait3A_205, %dma_wait3A_215] : memref<50x1536xf32, #tpu.memory_space<vmem>> -> memref<1x1536xf32, #tpu.memory_space<vmem>>
    %dma_wait3A_217 = tpu.memref_squeeze %dma_wait3A_216 : memref<1x1536xf32, #tpu.memory_space<vmem>> -> memref<1536xf32, #tpu.memory_space<vmem>>
    tpu.wait_dma2 semaphore(%arg7 : memref<!tpu.dma_semaphore, #tpu.memory_space<semaphore_mem>>) src(%dma_wait3A_217 : memref<1536xf32, #tpu.memory_space<vmem>>) dst(%dma_wait3A_214 : memref<1536xf32, #tpu.memory_space<hbm>>)
    %dma_wait3A_218 = arith.constant 0 : i32
    %dma_wait3A_219 = arith.constant 0 : i32
    %dma_wait3A_220 = arith.constant 0 : i32
    %dma_wait3A_221 = arith.constant 0 : i32
    %dma_wait3A_222 = tpu.memref_slice %arg6[%dma_wait3A_218, %dma_wait3A_221] : memref<50x1536xf32, #tpu.memory_space<vmem>> -> memref<1x1536xf32, #tpu.memory_space<vmem>>
    %dma_wait3A_223 = tpu.memref_squeeze %dma_wait3A_222 : memref<1x1536xf32, #tpu.memory_space<vmem>> -> memref<1536xf32, #tpu.memory_space<vmem>>
    %dma_wait3A_224 = tpu.memref_slice %arg4[%dma_wait3A_219, %dma_wait3A_220, %mul3A_32] : memref<50x64x24576xf32, #tpu.memory_space<hbm>> -> memref<1x1x1536xf32, #tpu.memory_space<hbm>>
    %dma_wait3A_225 = tpu.memref_squeeze %dma_wait3A_224 : memref<1x1x1536xf32, #tpu.memory_space<hbm>> -> memref<1536xf32, #tpu.memory_space<hbm>>
    %dma_wait3A_226 = tpu.memref_slice %arg4[%dma_wait3A_219, %dma_wait3A_220, %mul3A_32] : memref<50x64x24576xf32, #tpu.memory_space<hbm>> -> memref<1x1x1536xf32, #tpu.memory_space<hbm>>
    %dma_wait3A_227 = tpu.memref_squeeze %dma_wait3A_226 : memref<1x1x1536xf32, #tpu.memory_space<hbm>> -> memref<1536xf32, #tpu.memory_space<hbm>>
    %dma_wait3A_228 = arith.constant 0 : i32
    %dma_wait3A_229 = tpu.memref_slice %arg6[%dma_wait3A_218, %dma_wait3A_228] : memref<50x1536xf32, #tpu.memory_space<vmem>> -> memref<1x1536xf32, #tpu.memory_space<vmem>>
    %dma_wait3A_230 = tpu.memref_squeeze %dma_wait3A_229 : memref<1x1536xf32, #tpu.memory_space<vmem>> -> memref<1536xf32, #tpu.memory_space<vmem>>
    tpu.wait_dma2 semaphore(%arg7 : memref<!tpu.dma_semaphore, #tpu.memory_space<semaphore_mem>>) src(%dma_wait3A_230 : memref<1536xf32, #tpu.memory_space<vmem>>) dst(%dma_wait3A_227 : memref<1536xf32, #tpu.memory_space<hbm>>)
    %dma_wait3A_231 = arith.constant 0 : i32
    %dma_wait3A_232 = arith.constant 0 : i32
    %dma_wait3A_233 = arith.constant 0 : i32
    %dma_wait3A_234 = arith.constant 0 : i32
    %dma_wait3A_235 = tpu.memref_slice %arg6[%dma_wait3A_231, %dma_wait3A_234] : memref<50x1536xf32, #tpu.memory_space<vmem>> -> memref<1x1536xf32, #tpu.memory_space<vmem>>
    %dma_wait3A_236 = tpu.memref_squeeze %dma_wait3A_235 : memref<1x1536xf32, #tpu.memory_space<vmem>> -> memref<1536xf32, #tpu.memory_space<vmem>>
    %dma_wait3A_237 = tpu.memref_slice %arg4[%dma_wait3A_232, %dma_wait3A_233, %mul3A_32] : memref<50x64x24576xf32, #tpu.memory_space<hbm>> -> memref<1x1x1536xf32, #tpu.memory_space<hbm>>
    %dma_wait3A_238 = tpu.memref_squeeze %dma_wait3A_237 : memref<1x1x1536xf32, #tpu.memory_space<hbm>> -> memref<1536xf32, #tpu.memory_space<hbm>>
    %dma_wait3A_239 = tpu.memref_slice %arg4[%dma_wait3A_232, %dma_wait3A_233, %mul3A_32] : memref<50x64x24576xf32, #tpu.memory_space<hbm>> -> memref<1x1x1536xf32, #tpu.memory_space<hbm>>
    %dma_wait3A_240 = tpu.memref_squeeze %dma_wait3A_239 : memref<1x1x1536xf32, #tpu.memory_space<hbm>> -> memref<1536xf32, #tpu.memory_space<hbm>>
    %dma_wait3A_241 = arith.constant 0 : i32
    %dma_wait3A_242 = tpu.memref_slice %arg6[%dma_wait3A_231, %dma_wait3A_241] : memref<50x1536xf32, #tpu.memory_space<vmem>> -> memref<1x1536xf32, #tpu.memory_space<vmem>>
    %dma_wait3A_243 = tpu.memref_squeeze %dma_wait3A_242 : memref<1x1536xf32, #tpu.memory_space<vmem>> -> memref<1536xf32, #tpu.memory_space<vmem>>
    tpu.wait_dma2 semaphore(%arg7 : memref<!tpu.dma_semaphore, #tpu.memory_space<semaphore_mem>>) src(%dma_wait3A_243 : memref<1536xf32, #tpu.memory_space<vmem>>) dst(%dma_wait3A_240 : memref<1536xf32, #tpu.memory_space<hbm>>)
    return
  }
}

</mosaic_0001>

<sc_bundles>
// kernel: kernel.3.cloned.1.call-start
scs
__scs_entry_jumppad:
0x0: {  	(pc) =	sbr.rel $0x88, $3  }
0x1: {  	(tag) =	ssettag $0x0;
	lr =	simm.s32 $0x1  }
0x2: {  	[smem:$0x3F9F] =	sst lr;
	_ =	strace $0xD0000000  }
0x3: {  	_ = 	snop  }
0x4: {  	_ = 	snop  }
0x5: {  	_ = 	snop  }
0x6: {  	_ = 	snop  }
0x7: {  	_ = 	snop  }
__scs_overlays_trampoline_lowered:
0x8: {  	[smem:$0x3FAE] =	sst s0  }
0x9: {  	[smem:$0x3FAF] =	sst s1  }
0xa: {  	[smem:$0x3FB0] =	sst s2  }
0xb: {  	[smem:$0x3FB1] =	sst s3  }
0xc: {  	[smem:$0x3FB2] =	sst s4  }
0xd: {  	[smem:$0x3FB3] =	sst s5  }
0xe: {  	[smem:$0x3FB4] =	sst s6  }
0xf: {  	[smem:$0x3FB5] =	sst s7  }
0x10: {  	[smem:$0x3FB6] =	sst s8  }
0x11: {  	[smem:$0x3FB7] =	sst s9;
	s0 =	simm.s32 @!p0 $0x0  }
0x12: {  	s1 =	sld [smem:$0x3F9D];
	s0 =	simm.s32 @p0 $0x1  }
0x13: {  	[smem:$0x3FB8] =	sst s0;
	s0 =	simm.s32 @!p1 $0x0  }
0x14: {  	s2 =	sld [smem:$0x3F9C];
	s0 =	simm.s32 @p1 $0x1  }
0x15: {  	[smem:$0x3FB9] =	sst s0;
	s0 =	simm.s32 @!p2 $0x0  }
0x16: {  	s3 =	sld [smem:$0x3FDB];
	s0 =	simm.s32 @p2 $0x1  }
0x17: {  	s4 =	simm.s32 $0x1BF5;
	[smem:$0x3FBB] =	sst s0  }
0x18: {  	s0 =	sld [smem:$0x3F9E];
	_ =	swait.ge [sflag:s4], $0x0  }
0x19: {  	s7 =	sld [smem:$0x3F9F]  }
0x1a: {  	s8 =	sadd.s32 $0xFFFFE003, lr  }
0x1b: {  	s9 =	sadd.s32 $0xFFFFFEF7, lr;
	s5 =	simm.s32 $0xFFFFFFFF;
	p2 =	slt.u32 s8, $0xFFFFF086  }
0x1c: {  	p1 =	slt.u32 s9, $0xF7A;
	s5 =	simm.s32 @!p2 $0x0  }
0x1d: {  	s5 =	simm.s32 @p1 $0x1;
	p0 =	seq.s32 s7, s2  }
0x1e: {  	s7 =	smul.u32 @!p0 $0xF7A, s2;
	p2 =	seq.s32 @!p0 s5, $0x0  }
0x1f: {  	s9 =	smul.u32 $0xF7A, s1;
	s8 =	simm.s32 @!p0 $0x1BF5;
	p2 =	por !p2, p0  }
0x20: {  	[sflag:s8] =	ssyncset.s32 @!p0 $0xFFFFF086;
	s6 =	sadd.s32 @!p0 s3, s7;
	s7 =	simm.s32 @!p0 $0x108  }
0x21: {  	s3 =	sadd.s32 s3, s9;
	s6 =	sadd.s32 @!p0 $0x88, s6;
	s7 =	simm.s32 @p2 $0x1082  }
0x22: {  	[simem:s7], [sflag:s8] =	dma.local @!p0 [hbm:s6], $0xF7A  }
0x23: {  	s9 =	sor.u32 $0xD0000000, s2;
	s6 =	simm.s32 $0x108;
	_ =	swait.ge @!p0 [sflag:s8], $0x0  }
0x24: {  	s3 =	sadd.s32 $0x88, s3;
	s6 =	simm.s32 @!p1 $0x1082;
	[sflag:s4] =	ssyncset.s32 $0xFFFFF086  }
0x25: {  	[simem:s6], [sflag:s4] =	dma.local [hbm:s3], $0xF7A  }
0x26: {  	[smem:$0x3F9F] =	sst s1;
	(tag) =	ssettag s2;
	_ =	strace s9  }
0x27: {  	s1 =	sld [smem:$0x3FAF]  }
0x28: {  	s2 =	sld [smem:$0x3FB0]  }
0x29: {  	s4 =	sld [smem:$0x3FB2]  }
0x2a: {  	p0 =	seq.s32 s5, $0x0;
	s5 =	sld [smem:$0x3FB3]  }
0x2b: {  	s6 =	sld [smem:$0x3FB4]  }
0x2c: {  	s7 =	sld [smem:$0x3FB5]  }
0x2d: {  	s3 =	simm.s32 $0x108;
	s8 =	sld [smem:$0x3FB6]  }
0x2e: {  	s3 =	simm.s32 @!p0 $0x1082;
	s9 =	sld [smem:$0x3FB7]  }
0x2f: {  	lr =	sadd.s32 s0, s3;
	s0 =	sld [smem:$0x3FAE]  }
0x30: {  	s3 =	sld [smem:$0x3FB1]  }
0x31: {  	[smem:$0x3FBA] =	sst s10  }
0x32: {  	s10 =	sld [smem:$0x3FB8];
	_ =	sdelay $0x3  }
0x33: {  	p0 =	seq.s32 s10, $0x1;
	s10 =	sld [smem:$0x3FBA];
	_ =	sdelay $0x3  }
0x34: {  	[smem:$0x3FBA] =	sst s10  }
0x35: {  	s10 =	sld [smem:$0x3FB9];
	_ =	sdelay $0x3  }
0x36: {  	p1 =	seq.s32 s10, $0x1;
	s10 =	sld [smem:$0x3FBA];
	_ =	sdelay $0x3  }
0x37: {  	[smem:$0x3FBA] =	sst s10  }
0x38: {  	s10 =	sld [smem:$0x3FBB]  }
0x39: {  	_ = 	snop;
	(pc) =	sbr.ind lr, $3  }
0x3a: {  	_ = 	snop  }
0x3b: {  	_ = 	snop  }
0x3c: {  	p2 =	seq.s32 s10, $0x1;
	s10 =	sld [smem:$0x3FBA]  }
0x3d: {  	_ =	shalt  }
0x3e: {  	_ =	shalt  }
0x3f: {  	_ =	shalt  }
0x40: {  	_ =	shalt  }
0x41: {  	_ =	shalt  }
0x42: {  	_ =	shalt  }
0x43: {  	_ =	shalt  }
0x44: {  	_ =	shalt  }
0x45: {  	_ =	shalt  }
0x46: {  	_ =	shalt  }
0x47: {  	_ =	shalt  }
0x48: {  	_ =	shalt  }
0x49: {  	_ =	shalt  }
0x4a: {  	_ =	shalt  }
0x4b: {  	_ =	shalt  }
0x4c: {  	_ =	shalt  }
0x4d: {  	_ =	shalt  }
0x4e: {  	_ =	shalt  }
0x4f: {  	_ =	shalt  }
0x50: {  	_ =	shalt  }
0x51: {  	_ =	shalt  }
0x52: {  	_ =	shalt  }
0x53: {  	_ =	shalt  }
0x54: {  	_ =	shalt  }
0x55: {  	_ =	shalt  }
0x56: {  	_ =	shalt  }
0x57: {  	_ =	shalt  }
0x58: {  	_ =	shalt  }
0x59: {  	_ =	shalt  }
0x5a: {  	_ =	shalt  }
0x5b: {  	_ =	shalt  }
0x5c: {  	_ =	shalt  }
0x5d: {  	_ =	shalt  }
0x5e: {  	_ =	shalt  }
0x5f: {  	_ =	shalt  }
0x60: {  	_ =	shalt  }
0x61: {  	_ =	shalt  }
0x62: {  	_ =	shalt  }
0x63: {  	_ =	shalt  }
0x64: {  	_ =	shalt  }
0x65: {  	_ =	shalt  }
0x66: {  	_ =	shalt  }
0x67: {  	_ =	shalt  }
0x68: {  	_ =	shalt  }
0x69: {  	_ =	shalt  }
0x6a: {  	_ =	shalt  }
0x6b: {  	_ =	shalt  }
0x6c: {  	_ =	shalt  }
0x6d: {  	_ =	shalt  }
0x6e: {  	_ =	shalt  }
0x6f: {  	_ =	shalt  }
0x70: {  	_ =	shalt  }
0x71: {  	_ =	shalt  }
0x72: {  	_ =	shalt  }
0x73: {  	_ =	shalt  }
0x74: {  	_ =	shalt  }
0x75: {  	_ =	shalt  }
0x76: {  	_ =	shalt  }
0x77: {  	_ =	shalt  }
0x78: {  	_ =	shalt  }
0x79: {  	_ =	shalt  }
0x7a: {  	_ =	shalt  }
0x7b: {  	_ =	shalt  }
0x7c: {  	_ =	shalt  }
0x7d: {  	_ =	shalt  }
0x7e: {  	_ =	shalt  }
0x7f: {  	_ =	shalt  }
0x80: {  	_ =	shalt  }
0x81: {  	_ =	shalt  }
0x82: {  	_ =	shalt  }
0x83: {  	_ =	shalt  }
0x84: {  	_ =	shalt  }
0x85: {  	_ =	shalt  }
0x86: {  	_ =	shalt  }
0x87: {  	_ =	shalt  }
.Lfunc_end0:
.L_simem_size_0:
called_computation_lowered:
.L_overlay_start_0:
0x88: {  	s2 =	sld [smem:$0x3FD9]  }
0x89: {  	s3 =	sld [smem:$0x3FFE];
	_ =	sdelay $0x1  }
0x8a: {  	s1 =	srdreg.scid  }
0x8b: {  	s0 =	sand.u32 $0x1, s1  }
0x8c: {  	s18 =	sshll.u32 s0, $0xA;
	s2 =	sadd.s32 s3, s2  }
0x8d: {  	s2 =	sadd.s32 s2, s18  }
0x8e: {  	[smem:$0x3FC6] =	sst s2  }
0x8f: {  	_ = 	snop  }
0x90: {  	s2 =	sld [smem:$0x3FC9]  }
0x91: {  	s19 =	sld [smem:$0x3FC8]  }
0x92: {  	s4 =	sld [smem:$0x3FD0];
	(tm) =	ssettm $0x1  }
0x93: {  	s5 =	sld [smem:$0x3FFB];
	_ =	sdelay $0x3  }
0x94: {  	_ =	strace s5  }
0x95: {  	s5 =	sld [smem:$0x3FFC];
	_ =	sdelay $0x3  }
0x96: {  	_ =	strace s5  }
0x97: {  	s5 =	sld [smem:$0x3FFD];
	_ =	sdelay $0x3  }
0x98: {  	_ =	strace s5  }
0x99: {  	_ =	strace $0x8FFFFFFF  }
0x9a: {  	s20 =	sld [smem:$0x3FDB];
	_ =	sdelay $0x1  }
0x9b: {  	s6 =	simm.s32 $_scs_section_size  }
0x9c: {  	s7 =	simm.s32 $_size__tile_overlayer_lowered;
	s8 =	simm.s32 $_tile_overlayer_lowered  }
0x9d: {  	s23 =	simm.s32 $0x1BFF;
	s22 =	sshll.u32 s8, $0x1;
	s5 =	sadd.s32 s6, s20  }
0x9e: {  	s9 =	simm.s32 $0x0;
	s21 =	sshll.u32 s7, $0x1;
	s7 =	sadd.s32 s22, s5  }
0x9f: {  	[timem:s9], [sflag:s23] =	dma.local [hbm:s7], s21  }
0xa0: {  	_ =	swait.ge [sflag:s23], s21  }
0xa1: {  	s6 =	ssub.s32 $0x0, s21;
	[sflag:s23] =	ssyncset.done $0x0  }
0xa2: {  	[sflag:s23] =	ssyncadd.s32 s6;
	_ =	sdelay $0x1  }
0xa3: {  	s24 =	simm.s32 $0x1B8B  }
0xa4: {  	_ =	swait.ge [sflag:s24], $0x1  }
0xa5: {  	[sflag:s24] =	ssyncset.done $0x0  }
0xa6: {  	s25 =	simm.s32 $0x1B8E;
	[sflag:s24] =	ssyncadd.s32 $0xFFFFFFFF  }
0xa7: {  	s26 =	simm.s32 $execute0_lowered;
	[smem:$0x3FD2] =	sst s25  }
0xa8: {  	s6 =	sshll.u32 s26, $0x1;
	_ =	strace $0x80000046;
	[dreg:$0x1] =	wrdreg $0xFFFFFFFF  }
0xa9: {  	s28 =	simm.s32 $_size_execute0_lowered;
	s5 =	sadd.s32 s5, s6;
	[dreg:$0x0] =	wrdreg $0x0  }
0xaa: {  	s6 =	sshll.u32 s28, $0x1;
	[dreg:$0x2] =	wrdreg s5  }
0xab: {  	[dreg:$0x3] =	wrdreg s6  }
0xac: {  	[dreg:$0x4] =	wrdreg $0xC0  }
0xad: {  	_ =	task [dreg:s9], $0x5FFFF  }
0xae: {  	[dreg:$0x1] =	wrdreg $0xFFFFFFFF  }
0xaf: {  	[dreg:$0x0] =	wrdreg $0x60  }
0xb0: {  	[dreg:$0x2] =	wrdreg s19  }
0xb1: {  	[dreg:$0x3] =	wrdreg s2  }
0xb2: {  	[dreg:$0x4] =	wrdreg s4  }
0xb3: {  	[dreg:$0x5] =	wrdreg $0x9  }
0xb4: {  	_ =	task.clear_ibuf [dreg:s9], $0x6FFFF;
	_ =	strace $0x90000046  }
0xb5: {  	s29 =	simm.s32 $0x9;
	_ =	strace $0x80000048  }
0xb6: {  	_ =	swait.ge [sflag:s29], $0x1  }
0xb7: {  	[sflag:s29] =	ssyncadd.s32 $0xFFFFFFFF  }
0xb8: {  	_ =	strace $0x90000048  }
0xb9: {  	_ =	sfence  }
0xba: {  	s30 =	sld [smem:$0x0];
	_ =	sdelay $0x2  }
0xbb: {  	s31 =	sshll.u32 s1, $0xD;
	s1 =	sshrl.u32 s1, $0x2  }
0xbc: {  	s3 =	sand.u32 $0x4000, s31;
	s1 =	sadd.s32 s1, s30  }
0xbd: {  	s0 =	sor.u32 s3, s0;
	s1 =	sshll.u32 s1, $0x11  }
0xbe: {  	s0 =	sor.u32 s1, s0  }
0xbf: {  	s0 =	sadd.s32 $0x8F2B, s0  }
0xc0: {  	[sflag:s0] =	ssyncadd.remote.s32 $0x1  }
0xc1: {  	_ =	sfence.sel $0xFFFF  }
0xc2: {  	[dreg:$0x0] =	wrdreg $0xFFFFFFFF;
	(pc) =	sbr.abs _section_cstart, $3  }
0xc3: {  	[dreg:$0x1] =	wrdreg $0xFFFFFFFF  }
0xc4: {  	_ =	task.clear_ibuf [dreg:s9], $0x2FFFF;
	_ =	strace $0x9FFFFFFF  }
0xc5: {  	(tm) =	ssettm $0x7FFFFFFF  }
tec
execute0_lowered:
.L_overlay_start_1:
0x0: {  	(tag) =	ssettag $0x1  }
0x1: {  	s6 =	rddreg [dreg:$0x0]  }
0x2: {  	s0 =	stileid.u32;
	s2 =	rddreg [dreg:$0x1]  }
0x3: {  	s1 =	srdreg.scid;
	s3 =	rddreg [dreg:$0x2];
	s17 =	simm.s32 $0x3000  }
0x4: {  	s18 =	simm.s32 $0x30000;
	s19 =	simm.s32 $0x1C00;
	s20 =	simm.s32 $0x1  }
0x5: {  	s21 =	simm.s32 $0x0;
	s4 =	sshll.u32 s0, $0x1;
	s5 =	sand.u32 $0x1, s1  }
0x6: {  	s31 =	sshll.u32 s0, $0x2;
	s9 =	sadd.s32 $0x20, s3;
	s10 =	sadd.s32 $0x30, s3  }
0x7: {  	s11 =	sadd.s32 $0x40, s3;
	s12 =	sadd.s32 $0x50, s3;
	s13 =	sadd.s32 $0x60, s3  }
0x8: {  	s14 =	sadd.s32 $0x70, s3;
	s7 =	sand.u32 $0xE, s4;
	s4 =	simm.s32 $0x0  }
0x9: {  	s8 =	ssub.s32 $0x2, s5;
	s7 =	sor.u32 s5, s7;
	[smem:$0x7FF] =	sst s4  }
0xa: {  	s29 =	sshrl.u32 s8, $0x1;
	s5 =	smul.u32 $0x3000, s7;
	_ =	strace $0x80000047  }
0xb: {  	s15 =	ssub.s32 s8, s29;
	s7 =	sand.u32 $0x20, s31;
	s8 =	sadd.s32 $0x10, s3  }
0xc: {  	s15 =	smax.u32 s15, $0x1;
	s30 =	sshrl.u32 s5, $0x3;
	s16 =	sadd.s32 $0x30000, s5  }
0xd: {  	s6 =	sadd.s32 s6, s30;
	[dreg:$0x4] =	wrdreg s16;
	s16 =	simm.s32 $0x2  }
.LBB2_1:
0xe: {  	[tilespmem:s4], [sflag:$0x2] =	stream.linear.gather [hbm4b:s2+s4], $0x1900, $0x38;
	[tilespmem:$0x16C00] =	vst v63  }
0xf: {  	_ =	swait.ge [sflag:s16], $0x1900  }
0x10: {  	[sflag:s16] =	ssyncset.done $0x0  }
0x11: {  	[sflag:s16] =	ssyncadd.s32 $0xFFFFE700  }
0x12: {  	[tilespmem:s19], [sflag:$0x2] =	stream.strided.gather [hbm4b:s6+s17], $0x15000, s18, s17, $0x38;
	[tilespmem:$0x16C00] =	vst v63  }
0x13: {  	_ =	swait.ge [sflag:s16], $0x15000  }
0x14: {  	[sflag:s16] =	ssyncset.done $0x0  }
0x15: {  	s22 =	smov.u32 s7;
	s23 =	simm.s32 $0x0;
	[sflag:s16] =	ssyncadd.s32 $0xFFFEB000  }
.LBB2_2:
0x16: {  	s24 =	sshrl.u32 s23, $0x1  }
0x17: {  	s25 =	sshll.u32 s24, $0x5  }
0x18: {  	s30 =	sshll.u32 s23, $0x6;
	s26 =	ssub.s32 s22, s25  }
0x19: {  	s25 =	sand.u32 $0x3FFFFF80, s30;
	s28 =	sand.u32 $0xFFFFFF80, s26  }
0x1a: {  	s29 =	sand.u32 $0x70, s26;
	s25 =	sadd.s32 s28, s25  }
0x1b: {  	s25 =	sor.u32 s29, s25  }
0x1c: {  	v0 =	vld [tilespmem:s25+$0x0];
	_ =	sdelay $0x4  }
0x1d: {  	(v2sf) =	vpush v0, $0x0;
	_ =	sdelay $0xd  }
0x1e: {  	s31 =	sshrl.u32 s26, $0x3  }
0x1f: {  	s26 =	smul.u32 $0x30000, s31;
	s1 =	spop (v2sf)  }
0x20: {  	s25 =	smul.u32 $0x180000, s24;
	s30 =	sshrl.u32 s1, $0x3  }
0x21: {  	s24 =	smul.u32 $0xC000, s30  }
0x22: {  	s31 =	sor.u32 s5, s25;
	s28 =	sshll.u32 s1, $0x7  }
0x23: {  	s29 =	sadd.s32 s26, s31;
	s30 =	sand.u32 $0x380, s28;
	s24 =	sshra.s32 s24, $0x2  }
0x24: {  	s28 =	sshrl.u32 s29, $0x3;
	s24 =	sor.u32 s30, s24  }
0x25: {  	s29 =	sadd.s32 s3, s28;
	s30 =	sadd.s32 $0x1C00, s24  }
0x26: {  	[hbm4b:s29+s4] =	stream.linear.scatter [tilespmem:s30], [sflag:$0x1], $0x80, $0x38;
	[tilespmem:$0x16C00] =	vst v63  }
0x27: {  	s31 =	sadd.s32 $0x80, s29;
	s1 =	sadd.s32 $0x2000, s24  }
0x28: {  	[hbm4b:s31+s4] =	stream.linear.scatter [tilespmem:s1], [sflag:$0x1], $0x80, $0x38;
	[tilespmem:$0x16C00] =	vst v63  }
0x29: {  	s30 =	sadd.s32 $0x2400, s24;
	s1 =	sadd.s32 $0x100, s29  }
0x2a: {  	[hbm4b:s1+s4] =	stream.linear.scatter [tilespmem:s30], [sflag:$0x1], $0x80, $0x38;
	[tilespmem:$0x16C00] =	vst v63  }
0x2b: {  	s30 =	sadd.s32 $0x2800, s24;
	s1 =	sadd.s32 $0x180, s29  }
0x2c: {  	[hbm4b:s1+s4] =	stream.linear.scatter [tilespmem:s30], [sflag:$0x1], $0x80, $0x38;
	[tilespmem:$0x16C00] =	vst v63  }
0x2d: {  	s30 =	sadd.s32 $0x2C00, s24;
	s1 =	sadd.s32 $0x200, s29  }
0x2e: {  	[hbm4b:s1+s4] =	stream.linear.scatter [tilespmem:s30], [sflag:$0x1], $0x80, $0x38;
	[tilespmem:$0x16C00] =	vst v63  }
0x2f: {  	s30 =	sadd.s32 $0x3000, s24;
	s1 =	sadd.s32 $0x280, s29  }
0x30: {  	[hbm4b:s1+s4] =	stream.linear.scatter [tilespmem:s30], [sflag:$0x1], $0x80, $0x38;
	[tilespmem:$0x16C00] =	vst v63  }
0x31: {  	s30 =	sadd.s32 $0x3400, s24;
	s1 =	sadd.s32 $0x300, s29  }
0x32: {  	[hbm4b:s1+s4] =	stream.linear.scatter [tilespmem:s30], [sflag:$0x1], $0x80, $0x38;
	[tilespmem:$0x16C00] =	vst v63  }
0x33: {  	s30 =	sadd.s32 $0x3800, s24;
	s1 =	sadd.s32 $0x380, s29  }
0x34: {  	[hbm4b:s1+s4] =	stream.linear.scatter [tilespmem:s30], [sflag:$0x1], $0x80, $0x38;
	[tilespmem:$0x16C00] =	vst v63  }
0x35: {  	s30 =	sadd.s32 $0x3C00, s24;
	s1 =	sadd.s32 $0x400, s29  }
0x36: {  	[hbm4b:s1+s4] =	stream.linear.scatter [tilespmem:s30], [sflag:$0x1], $0x80, $0x38;
	[tilespmem:$0x16C00] =	vst v63  }
0x37: {  	s30 =	sadd.s32 $0x4000, s24;
	s1 =	sadd.s32 $0x480, s29  }
0x38: {  	[hbm4b:s1+s4] =	stream.linear.scatter [tilespmem:s30], [sflag:$0x1], $0x80, $0x38;
	[tilespmem:$0x16C00] =	vst v63  }
0x39: {  	s30 =	sadd.s32 $0x4400, s24;
	s1 =	sadd.s32 $0x500, s29  }
0x3a: {  	[hbm4b:s1+s4] =	stream.linear.scatter [tilespmem:s30], [sflag:$0x1], $0x80, $0x38;
	[tilespmem:$0x16C00] =	vst v63  }
0x3b: {  	p0 =	seq.s32 s23, $0x0;
	s24 =	sadd.s32 $0x4800, s24;
	s29 =	sadd.s32 $0x580, s29  }
0x3c: {  	[hbm4b:s29+s4] =	stream.linear.scatter [tilespmem:s24], [sflag:$0x1], $0x80, $0x38;
	[tilespmem:$0x16C00] =	vst v63  }
0x3d: {  	s24 =	simm.s32 @!p0 $0x1  }
0x3e: {  	_ =	swait.ge @!p0 [sflag:s24], $0x600  }
0x3f: {  	(v2sf) =	vpush v0, $0x1;
	_ =	sdelay $0xe  }
0x40: {  	s1 =	spop (v2sf)  }
0x41: {  	s31 =	sshrl.u32 s1, $0x3  }
0x42: {  	s30 =	smul.u32 $0xC000, s31  }
0x43: {  	s29 =	sshll.u32 s1, $0x7  }
0x44: {  	s29 =	sand.u32 $0x380, s29;
	s30 =	sshra.s32 s30, $0x2  }
0x45: {  	[sflag:s24] =	ssyncset.done @!p0 $0x0;
	s29 =	sor.u32 s29, s30  }
0x46: {  	[sflag:s24] =	ssyncadd.s32 @!p0 $0xFFFFFA00;
	s30 =	sadd.s32 s28, s8;
	s1 =	sadd.s32 $0x1C00, s29  }
0x47: {  	[hbm4b:s30+s4] =	stream.linear.scatter [tilespmem:s1], [sflag:$0x1], $0x80, $0x38;
	[tilespmem:$0x16C00] =	vst v63  }
0x48: {  	s31 =	sadd.s32 $0x2000, s29;
	s1 =	sadd.s32 $0x80, s30  }
0x49: {  	[hbm4b:s1+s4] =	stream.linear.scatter [tilespmem:s31], [sflag:$0x1], $0x80, $0x38;
	[tilespmem:$0x16C00] =	vst v63  }
0x4a: {  	s1 =	sadd.s32 $0x2400, s29;
	s31 =	sadd.s32 $0x100, s30  }
0x4b: {  	[hbm4b:s31+s4] =	stream.linear.scatter [tilespmem:s1], [sflag:$0x1], $0x80, $0x38;
	[tilespmem:$0x16C00] =	vst v63  }
0x4c: {  	s1 =	sadd.s32 $0x2800, s29;
	s31 =	sadd.s32 $0x180, s30  }
0x4d: {  	[hbm4b:s31+s4] =	stream.linear.scatter [tilespmem:s1], [sflag:$0x1], $0x80, $0x38;
	[tilespmem:$0x16C00] =	vst v63  }
0x4e: {  	s1 =	sadd.s32 $0x2C00, s29;
	s31 =	sadd.s32 $0x200, s30  }
0x4f: {  	[hbm4b:s31+s4] =	stream.linear.scatter [tilespmem:s1], [sflag:$0x1], $0x80, $0x38;
	[tilespmem:$0x16C00] =	vst v63  }
0x50: {  	s1 =	sadd.s32 $0x3000, s29;
	s31 =	sadd.s32 $0x280, s30  }
0x51: {  	[hbm4b:s31+s4] =	stream.linear.scatter [tilespmem:s1], [sflag:$0x1], $0x80, $0x38;
	[tilespmem:$0x16C00] =	vst v63  }
0x52: {  	s1 =	sadd.s32 $0x3400, s29;
	s31 =	sadd.s32 $0x300, s30  }
0x53: {  	[hbm4b:s31+s4] =	stream.linear.scatter [tilespmem:s1], [sflag:$0x1], $0x80, $0x38;
	[tilespmem:$0x16C00] =	vst v63  }
0x54: {  	s1 =	sadd.s32 $0x3800, s29;
	s31 =	sadd.s32 $0x380, s30  }
0x55: {  	[hbm4b:s31+s4] =	stream.linear.scatter [tilespmem:s1], [sflag:$0x1], $0x80, $0x38;
	[tilespmem:$0x16C00] =	vst v63  }
0x56: {  	s1 =	sadd.s32 $0x3C00, s29;
	s31 =	sadd.s32 $0x400, s30  }
0x57: {  	[hbm4b:s31+s4] =	stream.linear.scatter [tilespmem:s1], [sflag:$0x1], $0x80, $0x38;
	[tilespmem:$0x16C00] =	vst v63  }
0x58: {  	s1 =	sadd.s32 $0x4000, s29;
	s31 =	sadd.s32 $0x480, s30  }
0x59: {  	[hbm4b:s31+s4] =	stream.linear.scatter [tilespmem:s1], [sflag:$0x1], $0x80, $0x38;
	[tilespmem:$0x16C00] =	vst v63  }
0x5a: {  	s1 =	sadd.s32 $0x4400, s29;
	s31 =	sadd.s32 $0x500, s30  }
0x5b: {  	[hbm4b:s31+s4] =	stream.linear.scatter [tilespmem:s1], [sflag:$0x1], $0x80, $0x38;
	[tilespmem:$0x16C00] =	vst v63  }
0x5c: {  	s30 =	sadd.s32 $0x580, s30;
	s31 =	sadd.s32 $0x4800, s29  }
0x5d: {  	[hbm4b:s30+s4] =	stream.linear.scatter [tilespmem:s31], [sflag:$0x1], $0x80, $0x38;
	[tilespmem:$0x16C00] =	vst v63  }
0x5e: {  	_ =	swait.ge @!p0 [sflag:s24], $0x600  }
0x5f: {  	(v2sf) =	vpush v0, $0x2;
	_ =	sdelay $0xe  }
0x60: {  	s31 =	spop (v2sf)  }
0x61: {  	s30 =	sshrl.u32 s31, $0x3  }
0x62: {  	s29 =	smul.u32 $0xC000, s30  }
0x63: {  	s1 =	sshll.u32 s31, $0x7  }
0x64: {  	s1 =	sand.u32 $0x380, s1;
	s29 =	sshra.s32 s29, $0x2  }
0x65: {  	[sflag:s24] =	ssyncset.done @!p0 $0x0;
	s1 =	sor.u32 s1, s29  }
0x66: {  	[sflag:s24] =	ssyncadd.s32 @!p0 $0xFFFFFA00;
	s29 =	sadd.s32 s28, s9;
	s31 =	sadd.s32 $0x1C00, s1  }
0x67: {  	[hbm4b:s29+s4] =	stream.linear.scatter [tilespmem:s31], [sflag:$0x1], $0x80, $0x38;
	[tilespmem:$0x16C00] =	vst v63  }
0x68: {  	s30 =	sadd.s32 $0x2000, s1;
	s31 =	sadd.s32 $0x80, s29  }
0x69: {  	[hbm4b:s31+s4] =	stream.linear.scatter [tilespmem:s30], [sflag:$0x1], $0x80, $0x38;
	[tilespmem:$0x16C00] =	vst v63  }
0x6a: {  	s30 =	sadd.s32 $0x2400, s1;
	s31 =	sadd.s32 $0x100, s29  }
0x6b: {  	[hbm4b:s31+s4] =	stream.linear.scatter [tilespmem:s30], [sflag:$0x1], $0x80, $0x38;
	[tilespmem:$0x16C00] =	vst v63  }
0x6c: {  	s30 =	sadd.s32 $0x2800, s1;
	s31 =	sadd.s32 $0x180, s29  }
0x6d: {  	[hbm4b:s31+s4] =	stream.linear.scatter [tilespmem:s30], [sflag:$0x1], $0x80, $0x38;
	[tilespmem:$0x16C00] =	vst v63  }
0x6e: {  	s30 =	sadd.s32 $0x2C00, s1;
	s31 =	sadd.s32 $0x200, s29  }
0x6f: {  	[hbm4b:s31+s4] =	stream.linear.scatter [tilespmem:s30], [sflag:$0x1], $0x80, $0x38;
	[tilespmem:$0x16C00] =	vst v63  }
0x70: {  	s30 =	sadd.s32 $0x3000, s1;
	s31 =	sadd.s32 $0x280, s29  }
0x71: {  	[hbm4b:s31+s4] =	stream.linear.scatter [tilespmem:s30], [sflag:$0x1], $0x80, $0x38;
	[tilespmem:$0x16C00] =	vst v63  }
0x72: {  	s30 =	sadd.s32 $0x3400, s1;
	s31 =	sadd.s32 $0x300, s29  }
0x73: {  	[hbm4b:s31+s4] =	stream.linear.scatter [tilespmem:s30], [sflag:$0x1], $0x80, $0x38;
	[tilespmem:$0x16C00] =	vst v63  }
0x74: {  	s30 =	sadd.s32 $0x3800, s1;
	s31 =	sadd.s32 $0x380, s29  }
0x75: {  	[hbm4b:s31+s4] =	stream.linear.scatter [tilespmem:s30], [sflag:$0x1], $0x80, $0x38;
	[tilespmem:$0x16C00] =	vst v63  }
0x76: {  	s30 =	sadd.s32 $0x3C00, s1;
	s31 =	sadd.s32 $0x400, s29  }
0x77: {  	[hbm4b:s31+s4] =	stream.linear.scatter [tilespmem:s30], [sflag:$0x1], $0x80, $0x38;
	[tilespmem:$0x16C00] =	vst v63  }
0x78: {  	s30 =	sadd.s32 $0x4000, s1;
	s31 =	sadd.s32 $0x480, s29  }
0x79: {  	[hbm4b:s31+s4] =	stream.linear.scatter [tilespmem:s30], [sflag:$0x1], $0x80, $0x38;
	[tilespmem:$0x16C00] =	vst v63  }
0x7a: {  	s30 =	sadd.s32 $0x4400, s1;
	s31 =	sadd.s32 $0x500, s29  }
0x7b: {  	[hbm4b:s31+s4] =	stream.linear.scatter [tilespmem:s30], [sflag:$0x1], $0x80, $0x38;
	[tilespmem:$0x16C00] =	vst v63  }
0x7c: {  	s1 =	sadd.s32 $0x4800, s1;
	s29 =	sadd.s32 $0x580, s29  }
0x7d: {  	[hbm4b:s29+s4] =	stream.linear.scatter [tilespmem:s1], [sflag:$0x1], $0x80, $0x38;
	[tilespmem:$0x16C00] =	vst v63  }
0x7e: {  	_ =	swait.ge @!p0 [sflag:s24], $0x600  }
0x7f: {  	(v2sf) =	vpush v0, $0x3;
	_ =	sdelay $0xe  }
0x80: {  	s31 =	spop (v2sf)  }
0x81: {  	s30 =	sshrl.u32 s31, $0x3  }
0x82: {  	s29 =	smul.u32 $0xC000, s30  }
0x83: {  	s1 =	sshll.u32 s31, $0x7  }
0x84: {  	s1 =	sand.u32 $0x380, s1;
	s29 =	sshra.s32 s29, $0x2  }
0x85: {  	[sflag:s24] =	ssyncset.done @!p0 $0x0;
	s1 =	sor.u32 s1, s29  }
0x86: {  	[sflag:s24] =	ssyncadd.s32 @!p0 $0xFFFFFA00;
	s29 =	sadd.s32 s28, s10;
	s31 =	sadd.s32 $0x1C00, s1  }
0x87: {  	[hbm4b:s29+s4] =	stream.linear.scatter [tilespmem:s31], [sflag:$0x1], $0x80, $0x38;
	[tilespmem:$0x16C00] =	vst v63  }
0x88: {  	s30 =	sadd.s32 $0x2000, s1;
	s31 =	sadd.s32 $0x80, s29  }
0x89: {  	[hbm4b:s31+s4] =	stream.linear.scatter [tilespmem:s30], [sflag:$0x1], $0x80, $0x38;
	[tilespmem:$0x16C00] =	vst v63  }
0x8a: {  	s30 =	sadd.s32 $0x2400, s1;
	s31 =	sadd.s32 $0x100, s29  }
0x8b: {  	[hbm4b:s31+s4] =	stream.linear.scatter [tilespmem:s30], [sflag:$0x1], $0x80, $0x38;
	[tilespmem:$0x16C00] =	vst v63  }
0x8c: {  	s30 =	sadd.s32 $0x2800, s1;
	s31 =	sadd.s32 $0x180, s29  }
0x8d: {  	[hbm4b:s31+s4] =	stream.linear.scatter [tilespmem:s30], [sflag:$0x1], $0x80, $0x38;
	[tilespmem:$0x16C00] =	vst v63  }
0x8e: {  	s30 =	sadd.s32 $0x2C00, s1;
	s31 =	sadd.s32 $0x200, s29  }
0x8f: {  	[hbm4b:s31+s4] =	stream.linear.scatter [tilespmem:s30], [sflag:$0x1], $0x80, $0x38;
	[tilespmem:$0x16C00] =	vst v63  }
0x90: {  	s30 =	sadd.s32 $0x3000, s1;
	s31 =	sadd.s32 $0x280, s29  }
0x91: {  	[hbm4b:s31+s4] =	stream.linear.scatter [tilespmem:s30], [sflag:$0x1], $0x80, $0x38;
	[tilespmem:$0x16C00] =	vst v63  }
0x92: {  	s30 =	sadd.s32 $0x3400, s1;
	s31 =	sadd.s32 $0x300, s29  }
0x93: {  	[hbm4b:s31+s4] =	stream.linear.scatter [tilespmem:s30], [sflag:$0x1], $0x80, $0x38;
	[tilespmem:$0x16C00] =	vst v63  }
0x94: {  	s30 =	sadd.s32 $0x3800, s1;
	s31 =	sadd.s32 $0x380, s29  }
0x95: {  	[hbm4b:s31+s4] =	stream.linear.scatter [tilespmem:s30], [sflag:$0x1], $0x80, $0x38;
	[tilespmem:$0x16C00] =	vst v63  }
0x96: {  	s30 =	sadd.s32 $0x3C00, s1;
	s31 =	sadd.s32 $0x400, s29  }
0x97: {  	[hbm4b:s31+s4] =	stream.linear.scatter [tilespmem:s30], [sflag:$0x1], $0x80, $0x38;
	[tilespmem:$0x16C00] =	vst v63  }
0x98: {  	s30 =	sadd.s32 $0x4000, s1;
	s31 =	sadd.s32 $0x480, s29  }
0x99: {  	[hbm4b:s31+s4] =	stream.linear.scatter [tilespmem:s30], [sflag:$0x1], $0x80, $0x38;
	[tilespmem:$0x16C00] =	vst v63  }
0x9a: {  	s30 =	sadd.s32 $0x4400, s1;
	s31 =	sadd.s32 $0x500, s29  }
0x9b: {  	[hbm4b:s31+s4] =	stream.linear.scatter [tilespmem:s30], [sflag:$0x1], $0x80, $0x38;
	[tilespmem:$0x16C00] =	vst v63  }
0x9c: {  	s1 =	sadd.s32 $0x4800, s1;
	s29 =	sadd.s32 $0x580, s29  }
0x9d: {  	[hbm4b:s29+s4] =	stream.linear.scatter [tilespmem:s1], [sflag:$0x1], $0x80, $0x38;
	[tilespmem:$0x16C00] =	vst v63  }
0x9e: {  	_ =	swait.ge @!p0 [sflag:s24], $0x600  }
0x9f: {  	(v2sf) =	vpush v0, $0x4;
	_ =	sdelay $0xe  }
0xa0: {  	s31 =	spop (v2sf)  }
0xa1: {  	s30 =	sshrl.u32 s31, $0x3  }
0xa2: {  	s29 =	smul.u32 $0xC000, s30  }
0xa3: {  	s1 =	sshll.u32 s31, $0x7  }
0xa4: {  	s1 =	sand.u32 $0x380, s1;
	s29 =	sshra.s32 s29, $0x2  }
0xa5: {  	[sflag:s24] =	ssyncset.done @!p0 $0x0;
	s1 =	sor.u32 s1, s29  }
0xa6: {  	[sflag:s24] =	ssyncadd.s32 @!p0 $0xFFFFFA00;
	s29 =	sadd.s32 s28, s11;
	s31 =	sadd.s32 $0x1C00, s1  }
0xa7: {  	[hbm4b:s29+s4] =	stream.linear.scatter [tilespmem:s31], [sflag:$0x1], $0x80, $0x38;
	[tilespmem:$0x16C00] =	vst v63  }
0xa8: {  	s30 =	sadd.s32 $0x2000, s1;
	s31 =	sadd.s32 $0x80, s29  }
0xa9: {  	[hbm4b:s31+s4] =	stream.linear.scatter [tilespmem:s30], [sflag:$0x1], $0x80, $0x38;
	[tilespmem:$0x16C00] =	vst v63  }
0xaa: {  	s30 =	sadd.s32 $0x2400, s1;
	s31 =	sadd.s32 $0x100, s29  }
0xab: {  	[hbm4b:s31+s4] =	stream.linear.scatter [tilespmem:s30], [sflag:$0x1], $0x80, $0x38;
	[tilespmem:$0x16C00] =	vst v63  }
0xac: {  	s30 =	sadd.s32 $0x2800, s1;
	s31 =	sadd.s32 $0x180, s29  }
0xad: {  	[hbm4b:s31+s4] =	stream.linear.scatter [tilespmem:s30], [sflag:$0x1], $0x80, $0x38;
	[tilespmem:$0x16C00] =	vst v63  }
0xae: {  	s30 =	sadd.s32 $0x2C00, s1;
	s31 =	sadd.s32 $0x200, s29  }
0xaf: {  	[hbm4b:s31+s4] =	stream.linear.scatter [tilespmem:s30], [sflag:$0x1], $0x80, $0x38;
	[tilespmem:$0x16C00] =	vst v63  }
0xb0: {  	s30 =	sadd.s32 $0x3000, s1;
	s31 =	sadd.s32 $0x280, s29  }
0xb1: {  	[hbm4b:s31+s4] =	stream.linear.scatter [tilespmem:s30], [sflag:$0x1], $0x80, $0x38;
	[tilespmem:$0x16C00] =	vst v63  }
0xb2: {  	s30 =	sadd.s32 $0x3400, s1;
	s31 =	sadd.s32 $0x300, s29  }
0xb3: {  	[hbm4b:s31+s4] =	stream.linear.scatter [tilespmem:s30], [sflag:$0x1], $0x80, $0x38;
	[tilespmem:$0x16C00] =	vst v63  }
0xb4: {  	s30 =	sadd.s32 $0x3800, s1;
	s31 =	sadd.s32 $0x380, s29  }
0xb5: {  	[hbm4b:s31+s4] =	stream.linear.scatter [tilespmem:s30], [sflag:$0x1], $0x80, $0x38;
	[tilespmem:$0x16C00] =	vst v63  }
0xb6: {  	s30 =	sadd.s32 $0x3C00, s1;
	s31 =	sadd.s32 $0x400, s29  }
0xb7: {  	[hbm4b:s31+s4] =	stream.linear.scatter [tilespmem:s30], [sflag:$0x1], $0x80, $0x38;
	[tilespmem:$0x16C00] =	vst v63  }
0xb8: {  	s30 =	sadd.s32 $0x4000, s1;
	s31 =	sadd.s32 $0x480, s29  }
0xb9: {  	[hbm4b:s31+s4] =	stream.linear.scatter [tilespmem:s30], [sflag:$0x1], $0x80, $0x38;
	[tilespmem:$0x16C00] =	vst v63  }
0xba: {  	s30 =	sadd.s32 $0x4400, s1;
	s31 =	sadd.s32 $0x500, s29  }
0xbb: {  	[hbm4b:s31+s4] =	stream.linear.scatter [tilespmem:s30], [sflag:$0x1], $0x80, $0x38;
	[tilespmem:$0x16C00] =	vst v63  }
0xbc: {  	s1 =	sadd.s32 $0x4800, s1;
	s29 =	sadd.s32 $0x580, s29  }
0xbd: {  	[hbm4b:s29+s4] =	stream.linear.scatter [tilespmem:s1], [sflag:$0x1], $0x80, $0x38;
	[tilespmem:$0x16C00] =	vst v63  }
0xbe: {  	_ =	swait.ge @!p0 [sflag:s24], $0x600  }
0xbf: {  	(v2sf) =	vpush v0, $0x5;
	_ =	sdelay $0xe  }
0xc0: {  	s31 =	spop (v2sf)  }
0xc1: {  	s30 =	sshrl.u32 s31, $0x3  }
0xc2: {  	s29 =	smul.u32 $0xC000, s30  }
0xc3: {  	s1 =	sshll.u32 s31, $0x7  }
0xc4: {  	s1 =	sand.u32 $0x380, s1;
	s29 =	sshra.s32 s29, $0x2  }
0xc5: {  	[sflag:s24] =	ssyncset.done @!p0 $0x0;
	s1 =	sor.u32 s1, s29  }
0xc6: {  	[sflag:s24] =	ssyncadd.s32 @!p0 $0xFFFFFA00;
	s29 =	sadd.s32 s28, s12;
	s31 =	sadd.s32 $0x1C00, s1  }
0xc7: {  	[hbm4b:s29+s4] =	stream.linear.scatter [tilespmem:s31], [sflag:$0x1], $0x80, $0x38;
	[tilespmem:$0x16C00] =	vst v63  }
0xc8: {  	s30 =	sadd.s32 $0x2000, s1;
	s31 =	sadd.s32 $0x80, s29  }
0xc9: {  	[hbm4b:s31+s4] =	stream.linear.scatter [tilespmem:s30], [sflag:$0x1], $0x80, $0x38;
	[tilespmem:$0x16C00] =	vst v63  }
0xca: {  	s30 =	sadd.s32 $0x2400, s1;
	s31 =	sadd.s32 $0x100, s29  }
0xcb: {  	[hbm4b:s31+s4] =	stream.linear.scatter [tilespmem:s30], [sflag:$0x1], $0x80, $0x38;
	[tilespmem:$0x16C00] =	vst v63  }
0xcc: {  	s30 =	sadd.s32 $0x2800, s1;
	s31 =	sadd.s32 $0x180, s29  }
0xcd: {  	[hbm4b:s31+s4] =	stream.linear.scatter [tilespmem:s30], [sflag:$0x1], $0x80, $0x38;
	[tilespmem:$0x16C00] =	vst v63  }
0xce: {  	s30 =	sadd.s32 $0x2C00, s1;
	s31 =	sadd.s32 $0x200, s29  }
0xcf: {  	[hbm4b:s31+s4] =	stream.linear.scatter [tilespmem:s30], [sflag:$0x1], $0x80, $0x38;
	[tilespmem:$0x16C00] =	vst v63  }
0xd0: {  	s30 =	sadd.s32 $0x3000, s1;
	s31 =	sadd.s32 $0x280, s29  }
0xd1: {  	[hbm4b:s31+s4] =	stream.linear.scatter [tilespmem:s30], [sflag:$0x1], $0x80, $0x38;
	[tilespmem:$0x16C00] =	vst v63  }
0xd2: {  	s30 =	sadd.s32 $0x3400, s1;
	s31 =	sadd.s32 $0x300, s29  }
0xd3: {  	[hbm4b:s31+s4] =	stream.linear.scatter [tilespmem:s30], [sflag:$0x1], $0x80, $0x38;
	[tilespmem:$0x16C00] =	vst v63  }
0xd4: {  	s30 =	sadd.s32 $0x3800, s1;
	s31 =	sadd.s32 $0x380, s29  }
0xd5: {  	[hbm4b:s31+s4] =	stream.linear.scatter [tilespmem:s30], [sflag:$0x1], $0x80, $0x38;
	[tilespmem:$0x16C00] =	vst v63  }
0xd6: {  	s30 =	sadd.s32 $0x3C00, s1;
	s31 =	sadd.s32 $0x400, s29  }
0xd7: {  	[hbm4b:s31+s4] =	stream.linear.scatter [tilespmem:s30], [sflag:$0x1], $0x80, $0x38;
	[tilespmem:$0x16C00] =	vst v63  }
0xd8: {  	s30 =	sadd.s32 $0x4000, s1;
	s31 =	sadd.s32 $0x480, s29  }
0xd9: {  	[hbm4b:s31+s4] =	stream.linear.scatter [tilespmem:s30], [sflag:$0x1], $0x80, $0x38;
	[tilespmem:$0x16C00] =	vst v63  }
0xda: {  	s30 =	sadd.s32 $0x4400, s1;
	s31 =	sadd.s32 $0x500, s29  }
0xdb: {  	[hbm4b:s31+s4] =	stream.linear.scatter [tilespmem:s30], [sflag:$0x1], $0x80, $0x38;
	[tilespmem:$0x16C00] =	vst v63  }
0xdc: {  	s1 =	sadd.s32 $0x4800, s1;
	s29 =	sadd.s32 $0x580, s29  }
0xdd: {  	[hbm4b:s29+s4] =	stream.linear.scatter [tilespmem:s1], [sflag:$0x1], $0x80, $0x38;
	[tilespmem:$0x16C00] =	vst v63  }
0xde: {  	_ =	swait.ge @!p0 [sflag:s24], $0x600  }
0xdf: {  	(v2sf) =	vpush v0, $0x6;
	_ =	sdelay $0xe  }
0xe0: {  	s31 =	spop (v2sf)  }
0xe1: {  	s30 =	sshrl.u32 s31, $0x3  }
0xe2: {  	s29 =	smul.u32 $0xC000, s30  }
0xe3: {  	s1 =	sshll.u32 s31, $0x7  }
0xe4: {  	s1 =	sand.u32 $0x380, s1;
	s29 =	sshra.s32 s29, $0x2  }
0xe5: {  	[sflag:s24] =	ssyncset.done @!p0 $0x0;
	s1 =	sor.u32 s1, s29  }
0xe6: {  	[sflag:s24] =	ssyncadd.s32 @!p0 $0xFFFFFA00;
	s29 =	sadd.s32 s28, s13;
	s31 =	sadd.s32 $0x1C00, s1  }
0xe7: {  	[hbm4b:s29+s4] =	stream.linear.scatter [tilespmem:s31], [sflag:$0x1], $0x80, $0x38;
	[tilespmem:$0x16C00] =	vst v63  }
0xe8: {  	s30 =	sadd.s32 $0x2000, s1;
	s31 =	sadd.s32 $0x80, s29  }
0xe9: {  	[hbm4b:s31+s4] =	stream.linear.scatter [tilespmem:s30], [sflag:$0x1], $0x80, $0x38;
	[tilespmem:$0x16C00] =	vst v63  }
0xea: {  	s30 =	sadd.s32 $0x2400, s1;
	s31 =	sadd.s32 $0x100, s29  }
0xeb: {  	[hbm4b:s31+s4] =	stream.linear.scatter [tilespmem:s30], [sflag:$0x1], $0x80, $0x38;
	[tilespmem:$0x16C00] =	vst v63  }
0xec: {  	s30 =	sadd.s32 $0x2800, s1;
	s31 =	sadd.s32 $0x180, s29  }
0xed: {  	[hbm4b:s31+s4] =	stream.linear.scatter [tilespmem:s30], [sflag:$0x1], $0x80, $0x38;
	[tilespmem:$0x16C00] =	vst v63  }
0xee: {  	s30 =	sadd.s32 $0x2C00, s1;
	s31 =	sadd.s32 $0x200, s29  }
0xef: {  	[hbm4b:s31+s4] =	stream.linear.scatter [tilespmem:s30], [sflag:$0x1], $0x80, $0x38;
	[tilespmem:$0x16C00] =	vst v63  }
0xf0: {  	s30 =	sadd.s32 $0x3000, s1;
	s31 =	sadd.s32 $0x280, s29  }
0xf1: {  	[hbm4b:s31+s4] =	stream.linear.scatter [tilespmem:s30], [sflag:$0x1], $0x80, $0x38;
	[tilespmem:$0x16C00] =	vst v63  }
0xf2: {  	s30 =	sadd.s32 $0x3400, s1;
	s31 =	sadd.s32 $0x300, s29  }
0xf3: {  	[hbm4b:s31+s4] =	stream.linear.scatter [tilespmem:s30], [sflag:$0x1], $0x80, $0x38;
	[tilespmem:$0x16C00] =	vst v63  }
0xf4: {  	s30 =	sadd.s32 $0x3800, s1;
	s31 =	sadd.s32 $0x380, s29  }
0xf5: {  	[hbm4b:s31+s4] =	stream.linear.scatter [tilespmem:s30], [sflag:$0x1], $0x80, $0x38;
	[tilespmem:$0x16C00] =	vst v63  }
0xf6: {  	s30 =	sadd.s32 $0x3C00, s1;
	s31 =	sadd.s32 $0x400, s29  }
0xf7: {  	[hbm4b:s31+s4] =	stream.linear.scatter [tilespmem:s30], [sflag:$0x1], $0x80, $0x38;
	[tilespmem:$0x16C00] =	vst v63  }
0xf8: {  	s30 =	sadd.s32 $0x4000, s1;
	s31 =	sadd.s32 $0x480, s29  }
0xf9: {  	[hbm4b:s31+s4] =	stream.linear.scatter [tilespmem:s30], [sflag:$0x1], $0x80, $0x38;
	[tilespmem:$0x16C00] =	vst v63  }
0xfa: {  	s30 =	sadd.s32 $0x4400, s1;
	s31 =	sadd.s32 $0x500, s29  }
0xfb: {  	[hbm4b:s31+s4] =	stream.linear.scatter [tilespmem:s30], [sflag:$0x1], $0x80, $0x38;
	[tilespmem:$0x16C00] =	vst v63  }
0xfc: {  	s1 =	sadd.s32 $0x4800, s1;
	s29 =	sadd.s32 $0x580, s29  }
0xfd: {  	[hbm4b:s29+s4] =	stream.linear.scatter [tilespmem:s1], [sflag:$0x1], $0x80, $0x38;
	[tilespmem:$0x16C00] =	vst v63  }
0xfe: {  	_ =	swait.ge @!p0 [sflag:s24], $0x600  }
0xff: {  	(v2sf) =	vpush v0, $0x7;
	_ =	sdelay $0xe  }
0x100: {  	s31 =	spop (v2sf)  }
0x101: {  	s30 =	sshrl.u32 s31, $0x3  }
0x102: {  	s29 =	smul.u32 $0xC000, s30  }
0x103: {  	s1 =	sshll.u32 s31, $0x7  }
0x104: {  	s1 =	sand.u32 $0x380, s1;
	s29 =	sshra.s32 s29, $0x2  }
0x105: {  	[sflag:s24] =	ssyncset.done @!p0 $0x0;
	s1 =	sor.u32 s1, s29  }
0x106: {  	s28 =	sadd.s32 s28, s14;
	[sflag:s24] =	ssyncadd.s32 @!p0 $0xFFFFFA00;
	s29 =	sadd.s32 $0x1C00, s1  }
0x107: {  	[hbm4b:s28+s4] =	stream.linear.scatter [tilespmem:s29], [sflag:$0x1], $0x80, $0x38;
	[tilespmem:$0x16C00] =	vst v63  }
0x108: {  	s31 =	sadd.s32 $0x80, s28;
	s29 =	sadd.s32 $0x2000, s1  }
0x109: {  	[hbm4b:s31+s4] =	stream.linear.scatter [tilespmem:s29], [sflag:$0x1], $0x80, $0x38;
	[tilespmem:$0x16C00] =	vst v63  }
0x10a: {  	s29 =	sadd.s32 $0x2400, s1;
	s31 =	sadd.s32 $0x100, s28  }
0x10b: {  	[hbm4b:s31+s4] =	stream.linear.scatter [tilespmem:s29], [sflag:$0x1], $0x80, $0x38;
	[tilespmem:$0x16C00] =	vst v63  }
0x10c: {  	s29 =	sadd.s32 $0x2800, s1;
	s31 =	sadd.s32 $0x180, s28  }
0x10d: {  	[hbm4b:s31+s4] =	stream.linear.scatter [tilespmem:s29], [sflag:$0x1], $0x80, $0x38;
	[tilespmem:$0x16C00] =	vst v63  }
0x10e: {  	s29 =	sadd.s32 $0x2C00, s1;
	s31 =	sadd.s32 $0x200, s28  }
0x10f: {  	[hbm4b:s31+s4] =	stream.linear.scatter [tilespmem:s29], [sflag:$0x1], $0x80, $0x38;
	[tilespmem:$0x16C00] =	vst v63  }
0x110: {  	s29 =	sadd.s32 $0x3000, s1;
	s31 =	sadd.s32 $0x280, s28  }
0x111: {  	[hbm4b:s31+s4] =	stream.linear.scatter [tilespmem:s29], [sflag:$0x1], $0x80, $0x38;
	[tilespmem:$0x16C00] =	vst v63  }
0x112: {  	s29 =	sadd.s32 $0x3400, s1;
	s31 =	sadd.s32 $0x300, s28  }
0x113: {  	[hbm4b:s31+s4] =	stream.linear.scatter [tilespmem:s29], [sflag:$0x1], $0x80, $0x38;
	[tilespmem:$0x16C00] =	vst v63  }
0x114: {  	s29 =	sadd.s32 $0x3800, s1;
	s31 =	sadd.s32 $0x380, s28  }
0x115: {  	[hbm4b:s31+s4] =	stream.linear.scatter [tilespmem:s29], [sflag:$0x1], $0x80, $0x38;
	[tilespmem:$0x16C00] =	vst v63  }
0x116: {  	s29 =	sadd.s32 $0x3C00, s1;
	s31 =	sadd.s32 $0x400, s28  }
0x117: {  	[hbm4b:s31+s4] =	stream.linear.scatter [tilespmem:s29], [sflag:$0x1], $0x80, $0x38;
	[tilespmem:$0x16C00] =	vst v63  }
0x118: {  	s29 =	sadd.s32 $0x4000, s1;
	s31 =	sadd.s32 $0x480, s28  }
0x119: {  	[hbm4b:s31+s4] =	stream.linear.scatter [tilespmem:s29], [sflag:$0x1], $0x80, $0x38;
	[tilespmem:$0x16C00] =	vst v63  }
0x11a: {  	s29 =	sadd.s32 $0x4400, s1;
	s31 =	sadd.s32 $0x500, s28  }
0x11b: {  	[hbm4b:s31+s4] =	stream.linear.scatter [tilespmem:s29], [sflag:$0x1], $0x80, $0x38;
	[tilespmem:$0x16C00] =	vst v63  }
0x11c: {  	s1 =	sadd.s32 $0x4800, s1;
	s28 =	sadd.s32 $0x580, s28  }
0x11d: {  	[hbm4b:s28+s4] =	stream.linear.scatter [tilespmem:s1], [sflag:$0x1], $0x80, $0x38;
	[tilespmem:$0x16C00] =	vst v63  }
0x11e: {  	_ =	swait.ge @!p0 [sflag:s24], $0x600  }
0x11f: {  	(v2sf) =	vpush v0, $0x8;
	_ =	sdelay $0xe  }
0x120: {  	s30 =	spop (v2sf)  }
0x121: {  	s31 =	sshrl.u32 s30, $0x3  }
0x122: {  	s1 =	rddreg [dreg:$0x4];
	s29 =	smul.u32 $0xC000, s31  }
0x123: {  	s1 =	sor.u32 s25, s1;
	s30 =	sshll.u32 s30, $0x7  }
0x124: {  	s1 =	sadd.s32 s26, s1;
	s31 =	sand.u32 $0x380, s30;
	s29 =	sshra.s32 s29, $0x2  }
0x125: {  	[sflag:s24] =	ssyncset.done @!p0 $0x0;
	s25 =	sshrl.u32 s1, $0x3;
	s1 =	sor.u32 s31, s29  }
0x126: {  	[sflag:s24] =	ssyncadd.s32 @!p0 $0xFFFFFA00;
	s26 =	sadd.s32 s3, s25;
	s28 =	sadd.s32 $0x1C00, s1  }
0x127: {  	[hbm4b:s26+s4] =	stream.linear.scatter [tilespmem:s28], [sflag:$0x1], $0x80, $0x38;
	[tilespmem:$0x16C00] =	vst v63  }
0x128: {  	s31 =	sadd.s32 $0x80, s26;
	s30 =	sadd.s32 $0x2000, s1  }
0x129: {  	[hbm4b:s31+s4] =	stream.linear.scatter [tilespmem:s30], [sflag:$0x1], $0x80, $0x38;
	[tilespmem:$0x16C00] =	vst v63  }
0x12a: {  	s30 =	sadd.s32 $0x2400, s1;
	s31 =	sadd.s32 $0x100, s26  }
0x12b: {  	[hbm4b:s31+s4] =	stream.linear.scatter [tilespmem:s30], [sflag:$0x1], $0x80, $0x38;
	[tilespmem:$0x16C00] =	vst v63  }
0x12c: {  	s30 =	sadd.s32 $0x2800, s1;
	s31 =	sadd.s32 $0x180, s26  }
0x12d: {  	[hbm4b:s31+s4] =	stream.linear.scatter [tilespmem:s30], [sflag:$0x1], $0x80, $0x38;
	[tilespmem:$0x16C00] =	vst v63  }
0x12e: {  	s30 =	sadd.s32 $0x2C00, s1;
	s31 =	sadd.s32 $0x200, s26  }
0x12f: {  	[hbm4b:s31+s4] =	stream.linear.scatter [tilespmem:s30], [sflag:$0x1], $0x80, $0x38;
	[tilespmem:$0x16C00] =	vst v63  }
0x130: {  	s30 =	sadd.s32 $0x3000, s1;
	s31 =	sadd.s32 $0x280, s26  }
0x131: {  	[hbm4b:s31+s4] =	stream.linear.scatter [tilespmem:s30], [sflag:$0x1], $0x80, $0x38;
	[tilespmem:$0x16C00] =	vst v63  }
0x132: {  	s30 =	sadd.s32 $0x3400, s1;
	s31 =	sadd.s32 $0x300, s26  }
0x133: {  	[hbm4b:s31+s4] =	stream.linear.scatter [tilespmem:s30], [sflag:$0x1], $0x80, $0x38;
	[tilespmem:$0x16C00] =	vst v63  }
0x134: {  	s30 =	sadd.s32 $0x3800, s1;
	s31 =	sadd.s32 $0x380, s26  }
0x135: {  	[hbm4b:s31+s4] =	stream.linear.scatter [tilespmem:s30], [sflag:$0x1], $0x80, $0x38;
	[tilespmem:$0x16C00] =	vst v63  }
0x136: {  	s30 =	sadd.s32 $0x3C00, s1;
	s31 =	sadd.s32 $0x400, s26  }
0x137: {  	[hbm4b:s31+s4] =	stream.linear.scatter [tilespmem:s30], [sflag:$0x1], $0x80, $0x38;
	[tilespmem:$0x16C00] =	vst v63  }
0x138: {  	s30 =	sadd.s32 $0x4000, s1;
	s31 =	sadd.s32 $0x480, s26  }
0x139: {  	[hbm4b:s31+s4] =	stream.linear.scatter [tilespmem:s30], [sflag:$0x1], $0x80, $0x38;
	[tilespmem:$0x16C00] =	vst v63  }
0x13a: {  	s30 =	sadd.s32 $0x4400, s1;
	s31 =	sadd.s32 $0x500, s26  }
0x13b: {  	[hbm4b:s31+s4] =	stream.linear.scatter [tilespmem:s30], [sflag:$0x1], $0x80, $0x38;
	[tilespmem:$0x16C00] =	vst v63  }
0x13c: {  	s1 =	sadd.s32 $0x4800, s1;
	s26 =	sadd.s32 $0x580, s26  }
0x13d: {  	[hbm4b:s26+s4] =	stream.linear.scatter [tilespmem:s1], [sflag:$0x1], $0x80, $0x38;
	[tilespmem:$0x16C00] =	vst v63  }
0x13e: {  	_ =	swait.ge @!p0 [sflag:s24], $0x600  }
0x13f: {  	(v2sf) =	vpush v0, $0x9;
	_ =	sdelay $0xe  }
0x140: {  	s28 =	spop (v2sf)  }
0x141: {  	s29 =	sshrl.u32 s28, $0x3  }
0x142: {  	s26 =	smul.u32 $0xC000, s29  }
0x143: {  	s1 =	sshll.u32 s28, $0x7  }
0x144: {  	s1 =	sand.u32 $0x380, s1;
	s26 =	sshra.s32 s26, $0x2  }
0x145: {  	[sflag:s24] =	ssyncset.done @!p0 $0x0;
	s1 =	sor.u32 s1, s26  }
0x146: {  	[sflag:s24] =	ssyncadd.s32 @!p0 $0xFFFFFA00;
	s26 =	sadd.s32 s25, s8;
	s30 =	sadd.s32 $0x1C00, s1  }
0x147: {  	[hbm4b:s26+s4] =	stream.linear.scatter [tilespmem:s30], [sflag:$0x1], $0x80, $0x38;
	[tilespmem:$0x16C00] =	vst v63  }
0x148: {  	s31 =	sadd.s32 $0x2000, s1;
	s30 =	sadd.s32 $0x80, s26  }
0x149: {  	[hbm4b:s30+s4] =	stream.linear.scatter [tilespmem:s31], [sflag:$0x1], $0x80, $0x38;
	[tilespmem:$0x16C00] =	vst v63  }
0x14a: {  	s31 =	sadd.s32 $0x2400, s1;
	s30 =	sadd.s32 $0x100, s26  }
0x14b: {  	[hbm4b:s30+s4] =	stream.linear.scatter [tilespmem:s31], [sflag:$0x1], $0x80, $0x38;
	[tilespmem:$0x16C00] =	vst v63  }
0x14c: {  	s31 =	sadd.s32 $0x2800, s1;
	s30 =	sadd.s32 $0x180, s26  }
0x14d: {  	[hbm4b:s30+s4] =	stream.linear.scatter [tilespmem:s31], [sflag:$0x1], $0x80, $0x38;
	[tilespmem:$0x16C00] =	vst v63  }
0x14e: {  	s31 =	sadd.s32 $0x2C00, s1;
	s30 =	sadd.s32 $0x200, s26  }
0x14f: {  	[hbm4b:s30+s4] =	stream.linear.scatter [tilespmem:s31], [sflag:$0x1], $0x80, $0x38;
	[tilespmem:$0x16C00] =	vst v63  }
0x150: {  	s31 =	sadd.s32 $0x3000, s1;
	s30 =	sadd.s32 $0x280, s26  }
0x151: {  	[hbm4b:s30+s4] =	stream.linear.scatter [tilespmem:s31], [sflag:$0x1], $0x80, $0x38;
	[tilespmem:$0x16C00] =	vst v63  }
0x152: {  	s31 =	sadd.s32 $0x3400, s1;
	s30 =	sadd.s32 $0x300, s26  }
0x153: {  	[hbm4b:s30+s4] =	stream.linear.scatter [tilespmem:s31], [sflag:$0x1], $0x80, $0x38;
	[tilespmem:$0x16C00] =	vst v63  }
0x154: {  	s31 =	sadd.s32 $0x3800, s1;
	s30 =	sadd.s32 $0x380, s26  }
0x155: {  	[hbm4b:s30+s4] =	stream.linear.scatter [tilespmem:s31], [sflag:$0x1], $0x80, $0x38;
	[tilespmem:$0x16C00] =	vst v63  }
0x156: {  	s31 =	sadd.s32 $0x3C00, s1;
	s30 =	sadd.s32 $0x400, s26  }
0x157: {  	[hbm4b:s30+s4] =	stream.linear.scatter [tilespmem:s31], [sflag:$0x1], $0x80, $0x38;
	[tilespmem:$0x16C00] =	vst v63  }
0x158: {  	s31 =	sadd.s32 $0x4000, s1;
	s30 =	sadd.s32 $0x480, s26  }
0x159: {  	[hbm4b:s30+s4] =	stream.linear.scatter [tilespmem:s31], [sflag:$0x1], $0x80, $0x38;
	[tilespmem:$0x16C00] =	vst v63  }
0x15a: {  	s31 =	sadd.s32 $0x4400, s1;
	s30 =	sadd.s32 $0x500, s26  }
0x15b: {  	[hbm4b:s30+s4] =	stream.linear.scatter [tilespmem:s31], [sflag:$0x1], $0x80, $0x38;
	[tilespmem:$0x16C00] =	vst v63  }
0x15c: {  	s1 =	sadd.s32 $0x4800, s1;
	s26 =	sadd.s32 $0x580, s26  }
0x15d: {  	[hbm4b:s26+s4] =	stream.linear.scatter [tilespmem:s1], [sflag:$0x1], $0x80, $0x38;
	[tilespmem:$0x16C00] =	vst v63  }
0x15e: {  	_ =	swait.ge @!p0 [sflag:s24], $0x600  }
0x15f: {  	(v2sf) =	vpush v0, $0xA;
	_ =	sdelay $0xe  }
0x160: {  	s31 =	spop (v2sf)  }
0x161: {  	s28 =	sshrl.u32 s31, $0x3  }
0x162: {  	s26 =	smul.u32 $0xC000, s28  }
0x163: {  	s1 =	sshll.u32 s31, $0x7  }
0x164: {  	s1 =	sand.u32 $0x380, s1;
	s26 =	sshra.s32 s26, $0x2  }
0x165: {  	[sflag:s24] =	ssyncset.done @!p0 $0x0;
	s1 =	sor.u32 s1, s26  }
0x166: {  	[sflag:s24] =	ssyncadd.s32 @!p0 $0xFFFFFA00;
	s26 =	sadd.s32 s25, s9;
	s29 =	sadd.s32 $0x1C00, s1  }
0x167: {  	[hbm4b:s26+s4] =	stream.linear.scatter [tilespmem:s29], [sflag:$0x1], $0x80, $0x38;
	[tilespmem:$0x16C00] =	vst v63  }
0x168: {  	s30 =	sadd.s32 $0x2000, s1;
	s31 =	sadd.s32 $0x80, s26  }
0x169: {  	[hbm4b:s31+s4] =	stream.linear.scatter [tilespmem:s30], [sflag:$0x1], $0x80, $0x38;
	[tilespmem:$0x16C00] =	vst v63  }
0x16a: {  	s30 =	sadd.s32 $0x2400, s1;
	s31 =	sadd.s32 $0x100, s26  }
0x16b: {  	[hbm4b:s31+s4] =	stream.linear.scatter [tilespmem:s30], [sflag:$0x1], $0x80, $0x38;
	[tilespmem:$0x16C00] =	vst v63  }
0x16c: {  	s30 =	sadd.s32 $0x2800, s1;
	s31 =	sadd.s32 $0x180, s26  }
0x16d: {  	[hbm4b:s31+s4] =	stream.linear.scatter [tilespmem:s30], [sflag:$0x1], $0x80, $0x38;
	[tilespmem:$0x16C00] =	vst v63  }
0x16e: {  	s30 =	sadd.s32 $0x2C00, s1;
	s31 =	sadd.s32 $0x200, s26  }
0x16f: {  	[hbm4b:s31+s4] =	stream.linear.scatter [tilespmem:s30], [sflag:$0x1], $0x80, $0x38;
	[tilespmem:$0x16C00] =	vst v63  }
0x170: {  	s30 =	sadd.s32 $0x3000, s1;
	s31 =	sadd.s32 $0x280, s26  }
0x171: {  	[hbm4b:s31+s4] =	stream.linear.scatter [tilespmem:s30], [sflag:$0x1], $0x80, $0x38;
	[tilespmem:$0x16C00] =	vst v63  }
0x172: {  	s30 =	sadd.s32 $0x3400, s1;
	s31 =	sadd.s32 $0x300, s26  }
0x173: {  	[hbm4b:s31+s4] =	stream.linear.scatter [tilespmem:s30], [sflag:$0x1], $0x80, $0x38;
	[tilespmem:$0x16C00] =	vst v63  }
0x174: {  	s30 =	sadd.s32 $0x3800, s1;
	s31 =	sadd.s32 $0x380, s26  }
0x175: {  	[hbm4b:s31+s4] =	stream.linear.scatter [tilespmem:s30], [sflag:$0x1], $0x80, $0x38;
	[tilespmem:$0x16C00] =	vst v63  }
0x176: {  	s30 =	sadd.s32 $0x3C00, s1;
	s31 =	sadd.s32 $0x400, s26  }
0x177: {  	[hbm4b:s31+s4] =	stream.linear.scatter [tilespmem:s30], [sflag:$0x1], $0x80, $0x38;
	[tilespmem:$0x16C00] =	vst v63  }
0x178: {  	s30 =	sadd.s32 $0x4000, s1;
	s31 =	sadd.s32 $0x480, s26  }
0x179: {  	[hbm4b:s31+s4] =	stream.linear.scatter [tilespmem:s30], [sflag:$0x1], $0x80, $0x38;
	[tilespmem:$0x16C00] =	vst v63  }
0x17a: {  	s30 =	sadd.s32 $0x4400, s1;
	s31 =	sadd.s32 $0x500, s26  }
0x17b: {  	[hbm4b:s31+s4] =	stream.linear.scatter [tilespmem:s30], [sflag:$0x1], $0x80, $0x38;
	[tilespmem:$0x16C00] =	vst v63  }
0x17c: {  	s1 =	sadd.s32 $0x4800, s1;
	s26 =	sadd.s32 $0x580, s26  }
0x17d: {  	[hbm4b:s26+s4] =	stream.linear.scatter [tilespmem:s1], [sflag:$0x1], $0x80, $0x38;
	[tilespmem:$0x16C00] =	vst v63  }
0x17e: {  	_ =	swait.ge @!p0 [sflag:s24], $0x600  }
0x17f: {  	(v2sf) =	vpush v0, $0xB;
	_ =	sdelay $0xe  }
0x180: {  	s28 =	spop (v2sf)  }
0x181: {  	s29 =	sshrl.u32 s28, $0x3  }
0x182: {  	s26 =	smul.u32 $0xC000, s29  }
0x183: {  	s1 =	sshll.u32 s28, $0x7  }
0x184: {  	s1 =	sand.u32 $0x380, s1;
	s26 =	sshra.s32 s26, $0x2  }
0x185: {  	[sflag:s24] =	ssyncset.done @!p0 $0x0;
	s1 =	sor.u32 s1, s26  }
0x186: {  	[sflag:s24] =	ssyncadd.s32 @!p0 $0xFFFFFA00;
	s26 =	sadd.s32 s25, s10;
	s30 =	sadd.s32 $0x1C00, s1  }
0x187: {  	[hbm4b:s26+s4] =	stream.linear.scatter [tilespmem:s30], [sflag:$0x1], $0x80, $0x38;
	[tilespmem:$0x16C00] =	vst v63  }
0x188: {  	s31 =	sadd.s32 $0x2000, s1;
	s30 =	sadd.s32 $0x80, s26  }
0x189: {  	[hbm4b:s30+s4] =	stream.linear.scatter [tilespmem:s31], [sflag:$0x1], $0x80, $0x38;
	[tilespmem:$0x16C00] =	vst v63  }
0x18a: {  	s31 =	sadd.s32 $0x2400, s1;
	s30 =	sadd.s32 $0x100, s26  }
0x18b: {  	[hbm4b:s30+s4] =	stream.linear.scatter [tilespmem:s31], [sflag:$0x1], $0x80, $0x38;
	[tilespmem:$0x16C00] =	vst v63  }
0x18c: {  	s31 =	sadd.s32 $0x2800, s1;
	s30 =	sadd.s32 $0x180, s26  }
0x18d: {  	[hbm4b:s30+s4] =	stream.linear.scatter [tilespmem:s31], [sflag:$0x1], $0x80, $0x38;
	[tilespmem:$0x16C00] =	vst v63  }
0x18e: {  	s31 =	sadd.s32 $0x2C00, s1;
	s30 =	sadd.s32 $0x200, s26  }
0x18f: {  	[hbm4b:s30+s4] =	stream.linear.scatter [tilespmem:s31], [sflag:$0x1], $0x80, $0x38;
	[tilespmem:$0x16C00] =	vst v63  }
0x190: {  	s31 =	sadd.s32 $0x3000, s1;
	s30 =	sadd.s32 $0x280, s26  }
0x191: {  	[hbm4b:s30+s4] =	stream.linear.scatter [tilespmem:s31], [sflag:$0x1], $0x80, $0x38;
	[tilespmem:$0x16C00] =	vst v63  }
0x192: {  	s31 =	sadd.s32 $0x3400, s1;
	s30 =	sadd.s32 $0x300, s26  }
0x193: {  	[hbm4b:s30+s4] =	stream.linear.scatter [tilespmem:s31], [sflag:$0x1], $0x80, $0x38;
	[tilespmem:$0x16C00] =	vst v63  }
0x194: {  	s31 =	sadd.s32 $0x3800, s1;
	s30 =	sadd.s32 $0x380, s26  }
0x195: {  	[hbm4b:s30+s4] =	stream.linear.scatter [tilespmem:s31], [sflag:$0x1], $0x80, $0x38;
	[tilespmem:$0x16C00] =	vst v63  }
0x196: {  	s31 =	sadd.s32 $0x3C00, s1;
	s30 =	sadd.s32 $0x400, s26  }
0x197: {  	[hbm4b:s30+s4] =	stream.linear.scatter [tilespmem:s31], [sflag:$0x1], $0x80, $0x38;
	[tilespmem:$0x16C00] =	vst v63  }
0x198: {  	s31 =	sadd.s32 $0x4000, s1;
	s30 =	sadd.s32 $0x480, s26  }
0x199: {  	[hbm4b:s30+s4] =	stream.linear.scatter [tilespmem:s31], [sflag:$0x1], $0x80, $0x38;
	[tilespmem:$0x16C00] =	vst v63  }
0x19a: {  	s31 =	sadd.s32 $0x4400, s1;
	s30 =	sadd.s32 $0x500, s26  }
0x19b: {  	[hbm4b:s30+s4] =	stream.linear.scatter [tilespmem:s31], [sflag:$0x1], $0x80, $0x38;
	[tilespmem:$0x16C00] =	vst v63  }
0x19c: {  	s1 =	sadd.s32 $0x4800, s1;
	s26 =	sadd.s32 $0x580, s26  }
0x19d: {  	[hbm4b:s26+s4] =	stream.linear.scatter [tilespmem:s1], [sflag:$0x1], $0x80, $0x38;
	[tilespmem:$0x16C00] =	vst v63  }
0x19e: {  	_ =	swait.ge @!p0 [sflag:s24], $0x600  }
0x19f: {  	(v2sf) =	vpush v0, $0xC;
	_ =	sdelay $0xe  }
0x1a0: {  	s31 =	spop (v2sf)  }
0x1a1: {  	s28 =	sshrl.u32 s31, $0x3  }
0x1a2: {  	s26 =	smul.u32 $0xC000, s28  }
0x1a3: {  	s1 =	sshll.u32 s31, $0x7  }
0x1a4: {  	s1 =	sand.u32 $0x380, s1;
	s26 =	sshra.s32 s26, $0x2  }
0x1a5: {  	[sflag:s24] =	ssyncset.done @!p0 $0x0;
	s1 =	sor.u32 s1, s26  }
0x1a6: {  	[sflag:s24] =	ssyncadd.s32 @!p0 $0xFFFFFA00;
	s26 =	sadd.s32 s25, s11;
	s29 =	sadd.s32 $0x1C00, s1  }
0x1a7: {  	[hbm4b:s26+s4] =	stream.linear.scatter [tilespmem:s29], [sflag:$0x1], $0x80, $0x38;
	[tilespmem:$0x16C00] =	vst v63  }
0x1a8: {  	s30 =	sadd.s32 $0x2000, s1;
	s31 =	sadd.s32 $0x80, s26  }
0x1a9: {  	[hbm4b:s31+s4] =	stream.linear.scatter [tilespmem:s30], [sflag:$0x1], $0x80, $0x38;
	[tilespmem:$0x16C00] =	vst v63  }
0x1aa: {  	s30 =	sadd.s32 $0x2400, s1;
	s31 =	sadd.s32 $0x100, s26  }
0x1ab: {  	[hbm4b:s31+s4] =	stream.linear.scatter [tilespmem:s30], [sflag:$0x1], $0x80, $0x38;
	[tilespmem:$0x16C00] =	vst v63  }
0x1ac: {  	s30 =	sadd.s32 $0x2800, s1;
	s31 =	sadd.s32 $0x180, s26  }
0x1ad: {  	[hbm4b:s31+s4] =	stream.linear.scatter [tilespmem:s30], [sflag:$0x1], $0x80, $0x38;
	[tilespmem:$0x16C00] =	vst v63  }
0x1ae: {  	s30 =	sadd.s32 $0x2C00, s1;
	s31 =	sadd.s32 $0x200, s26  }
0x1af: {  	[hbm4b:s31+s4] =	stream.linear.scatter [tilespmem:s30], [sflag:$0x1], $0x80, $0x38;
	[tilespmem:$0x16C00] =	vst v63  }
0x1b0: {  	s30 =	sadd.s32 $0x3000, s1;
	s31 =	sadd.s32 $0x280, s26  }
0x1b1: {  	[hbm4b:s31+s4] =	stream.linear.scatter [tilespmem:s30], [sflag:$0x1], $0x80, $0x38;
	[tilespmem:$0x16C00] =	vst v63  }
0x1b2: {  	s30 =	sadd.s32 $0x3400, s1;
	s31 =	sadd.s32 $0x300, s26  }
0x1b3: {  	[hbm4b:s31+s4] =	stream.linear.scatter [tilespmem:s30], [sflag:$0x1], $0x80, $0x38;
	[tilespmem:$0x16C00] =	vst v63  }
0x1b4: {  	s30 =	sadd.s32 $0x3800, s1;
	s31 =	sadd.s32 $0x380, s26  }
0x1b5: {  	[hbm4b:s31+s4] =	stream.linear.scatter [tilespmem:s30], [sflag:$0x1], $0x80, $0x38;
	[tilespmem:$0x16C00] =	vst v63  }
0x1b6: {  	s30 =	sadd.s32 $0x3C00, s1;
	s31 =	sadd.s32 $0x400, s26  }
0x1b7: {  	[hbm4b:s31+s4] =	stream.linear.scatter [tilespmem:s30], [sflag:$0x1], $0x80, $0x38;
	[tilespmem:$0x16C00] =	vst v63  }
0x1b8: {  	s30 =	sadd.s32 $0x4000, s1;
	s31 =	sadd.s32 $0x480, s26  }
0x1b9: {  	[hbm4b:s31+s4] =	stream.linear.scatter [tilespmem:s30], [sflag:$0x1], $0x80, $0x38;
	[tilespmem:$0x16C00] =	vst v63  }
0x1ba: {  	s30 =	sadd.s32 $0x4400, s1;
	s31 =	sadd.s32 $0x500, s26  }
0x1bb: {  	[hbm4b:s31+s4] =	stream.linear.scatter [tilespmem:s30], [sflag:$0x1], $0x80, $0x38;
	[tilespmem:$0x16C00] =	vst v63  }
0x1bc: {  	s1 =	sadd.s32 $0x4800, s1;
	s26 =	sadd.s32 $0x580, s26  }
0x1bd: {  	[hbm4b:s26+s4] =	stream.linear.scatter [tilespmem:s1], [sflag:$0x1], $0x80, $0x38;
	[tilespmem:$0x16C00] =	vst v63  }
0x1be: {  	_ =	swait.ge @!p0 [sflag:s24], $0x600  }
0x1bf: {  	(v2sf) =	vpush v0, $0xD;
	_ =	sdelay $0xe  }
0x1c0: {  	s28 =	spop (v2sf)  }
0x1c1: {  	s29 =	sshrl.u32 s28, $0x3  }
0x1c2: {  	s26 =	smul.u32 $0xC000, s29  }
0x1c3: {  	s1 =	sshll.u32 s28, $0x7  }
0x1c4: {  	s1 =	sand.u32 $0x380, s1;
	s26 =	sshra.s32 s26, $0x2  }
0x1c5: {  	[sflag:s24] =	ssyncset.done @!p0 $0x0;
	s1 =	sor.u32 s1, s26  }
0x1c6: {  	[sflag:s24] =	ssyncadd.s32 @!p0 $0xFFFFFA00;
	s26 =	sadd.s32 s25, s12;
	s30 =	sadd.s32 $0x1C00, s1  }
0x1c7: {  	[hbm4b:s26+s4] =	stream.linear.scatter [tilespmem:s30], [sflag:$0x1], $0x80, $0x38;
	[tilespmem:$0x16C00] =	vst v63  }
0x1c8: {  	s31 =	sadd.s32 $0x2000, s1;
	s30 =	sadd.s32 $0x80, s26  }
0x1c9: {  	[hbm4b:s30+s4] =	stream.linear.scatter [tilespmem:s31], [sflag:$0x1], $0x80, $0x38;
	[tilespmem:$0x16C00] =	vst v63  }
0x1ca: {  	s31 =	sadd.s32 $0x2400, s1;
	s30 =	sadd.s32 $0x100, s26  }
0x1cb: {  	[hbm4b:s30+s4] =	stream.linear.scatter [tilespmem:s31], [sflag:$0x1], $0x80, $0x38;
	[tilespmem:$0x16C00] =	vst v63  }
0x1cc: {  	s31 =	sadd.s32 $0x2800, s1;
	s30 =	sadd.s32 $0x180, s26  }
0x1cd: {  	[hbm4b:s30+s4] =	stream.linear.scatter [tilespmem:s31], [sflag:$0x1], $0x80, $0x38;
	[tilespmem:$0x16C00] =	vst v63  }
0x1ce: {  	s31 =	sadd.s32 $0x2C00, s1;
	s30 =	sadd.s32 $0x200, s26  }
0x1cf: {  	[hbm4b:s30+s4] =	stream.linear.scatter [tilespmem:s31], [sflag:$0x1], $0x80, $0x38;
	[tilespmem:$0x16C00] =	vst v63  }
0x1d0: {  	s31 =	sadd.s32 $0x3000, s1;
	s30 =	sadd.s32 $0x280, s26  }
0x1d1: {  	[hbm4b:s30+s4] =	stream.linear.scatter [tilespmem:s31], [sflag:$0x1], $0x80, $0x38;
	[tilespmem:$0x16C00] =	vst v63  }
0x1d2: {  	s31 =	sadd.s32 $0x3400, s1;
	s30 =	sadd.s32 $0x300, s26  }
0x1d3: {  	[hbm4b:s30+s4] =	stream.linear.scatter [tilespmem:s31], [sflag:$0x1], $0x80, $0x38;
	[tilespmem:$0x16C00] =	vst v63  }
0x1d4: {  	s31 =	sadd.s32 $0x3800, s1;
	s30 =	sadd.s32 $0x380, s26  }
0x1d5: {  	[hbm4b:s30+s4] =	stream.linear.scatter [tilespmem:s31], [sflag:$0x1], $0x80, $0x38;
	[tilespmem:$0x16C00] =	vst v63  }
0x1d6: {  	s31 =	sadd.s32 $0x3C00, s1;
	s30 =	sadd.s32 $0x400, s26  }
0x1d7: {  	[hbm4b:s30+s4] =	stream.linear.scatter [tilespmem:s31], [sflag:$0x1], $0x80, $0x38;
	[tilespmem:$0x16C00] =	vst v63  }
0x1d8: {  	s31 =	sadd.s32 $0x4000, s1;
	s30 =	sadd.s32 $0x480, s26  }
0x1d9: {  	[hbm4b:s30+s4] =	stream.linear.scatter [tilespmem:s31], [sflag:$0x1], $0x80, $0x38;
	[tilespmem:$0x16C00] =	vst v63  }
0x1da: {  	s31 =	sadd.s32 $0x4400, s1;
	s30 =	sadd.s32 $0x500, s26  }
0x1db: {  	[hbm4b:s30+s4] =	stream.linear.scatter [tilespmem:s31], [sflag:$0x1], $0x80, $0x38;
	[tilespmem:$0x16C00] =	vst v63  }
0x1dc: {  	s1 =	sadd.s32 $0x4800, s1;
	s26 =	sadd.s32 $0x580, s26  }
0x1dd: {  	[hbm4b:s26+s4] =	stream.linear.scatter [tilespmem:s1], [sflag:$0x1], $0x80, $0x38;
	[tilespmem:$0x16C00] =	vst v63  }
0x1de: {  	_ =	swait.ge @!p0 [sflag:s24], $0x600  }
0x1df: {  	(v2sf) =	vpush v0, $0xE;
	_ =	sdelay $0xe  }
0x1e0: {  	s31 =	spop (v2sf)  }
0x1e1: {  	s28 =	sshrl.u32 s31, $0x3  }
0x1e2: {  	s26 =	smul.u32 $0xC000, s28  }
0x1e3: {  	s1 =	sshll.u32 s31, $0x7  }
0x1e4: {  	s1 =	sand.u32 $0x380, s1;
	s26 =	sshra.s32 s26, $0x2  }
0x1e5: {  	[sflag:s24] =	ssyncset.done @!p0 $0x0;
	s1 =	sor.u32 s1, s26  }
0x1e6: {  	[sflag:s24] =	ssyncadd.s32 @!p0 $0xFFFFFA00;
	s26 =	sadd.s32 s25, s13;
	s29 =	sadd.s32 $0x1C00, s1  }
0x1e7: {  	[hbm4b:s26+s4] =	stream.linear.scatter [tilespmem:s29], [sflag:$0x1], $0x80, $0x38;
	[tilespmem:$0x16C00] =	vst v63  }
0x1e8: {  	s30 =	sadd.s32 $0x2000, s1;
	s31 =	sadd.s32 $0x80, s26  }
0x1e9: {  	[hbm4b:s31+s4] =	stream.linear.scatter [tilespmem:s30], [sflag:$0x1], $0x80, $0x38;
	[tilespmem:$0x16C00] =	vst v63  }
0x1ea: {  	s30 =	sadd.s32 $0x2400, s1;
	s31 =	sadd.s32 $0x100, s26  }
0x1eb: {  	[hbm4b:s31+s4] =	stream.linear.scatter [tilespmem:s30], [sflag:$0x1], $0x80, $0x38;
	[tilespmem:$0x16C00] =	vst v63  }
0x1ec: {  	s30 =	sadd.s32 $0x2800, s1;
	s31 =	sadd.s32 $0x180, s26  }
0x1ed: {  	[hbm4b:s31+s4] =	stream.linear.scatter [tilespmem:s30], [sflag:$0x1], $0x80, $0x38;
	[tilespmem:$0x16C00] =	vst v63  }
0x1ee: {  	s30 =	sadd.s32 $0x2C00, s1;
	s31 =	sadd.s32 $0x200, s26  }
0x1ef: {  	[hbm4b:s31+s4] =	stream.linear.scatter [tilespmem:s30], [sflag:$0x1], $0x80, $0x38;
	[tilespmem:$0x16C00] =	vst v63  }
0x1f0: {  	s30 =	sadd.s32 $0x3000, s1;
	s31 =	sadd.s32 $0x280, s26  }
0x1f1: {  	[hbm4b:s31+s4] =	stream.linear.scatter [tilespmem:s30], [sflag:$0x1], $0x80, $0x38;
	[tilespmem:$0x16C00] =	vst v63  }
0x1f2: {  	s30 =	sadd.s32 $0x3400, s1;
	s31 =	sadd.s32 $0x300, s26  }
0x1f3: {  	[hbm4b:s31+s4] =	stream.linear.scatter [tilespmem:s30], [sflag:$0x1], $0x80, $0x38;
	[tilespmem:$0x16C00] =	vst v63  }
0x1f4: {  	s30 =	sadd.s32 $0x3800, s1;
	s31 =	sadd.s32 $0x380, s26  }
0x1f5: {  	[hbm4b:s31+s4] =	stream.linear.scatter [tilespmem:s30], [sflag:$0x1], $0x80, $0x38;
	[tilespmem:$0x16C00] =	vst v63  }
0x1f6: {  	s30 =	sadd.s32 $0x3C00, s1;
	s31 =	sadd.s32 $0x400, s26  }
0x1f7: {  	[hbm4b:s31+s4] =	stream.linear.scatter [tilespmem:s30], [sflag:$0x1], $0x80, $0x38;
	[tilespmem:$0x16C00] =	vst v63  }
0x1f8: {  	s30 =	sadd.s32 $0x4000, s1;
	s31 =	sadd.s32 $0x480, s26  }
0x1f9: {  	[hbm4b:s31+s4] =	stream.linear.scatter [tilespmem:s30], [sflag:$0x1], $0x80, $0x38;
	[tilespmem:$0x16C00] =	vst v63  }
0x1fa: {  	s30 =	sadd.s32 $0x4400, s1;
	s31 =	sadd.s32 $0x500, s26  }
0x1fb: {  	[hbm4b:s31+s4] =	stream.linear.scatter [tilespmem:s30], [sflag:$0x1], $0x80, $0x38;
	[tilespmem:$0x16C00] =	vst v63  }
0x1fc: {  	s1 =	sadd.s32 $0x4800, s1;
	s26 =	sadd.s32 $0x580, s26  }
0x1fd: {  	[hbm4b:s26+s4] =	stream.linear.scatter [tilespmem:s1], [sflag:$0x1], $0x80, $0x38;
	[tilespmem:$0x16C00] =	vst v63  }
0x1fe: {  	_ =	swait.ge @!p0 [sflag:s24], $0x600  }
0x1ff: {  	(v2sf) =	vpush v0, $0xF;
	_ =	sdelay $0xe  }
0x200: {  	s28 =	spop (v2sf)  }
0x201: {  	s29 =	sshrl.u32 s28, $0x3  }
0x202: {  	s26 =	smul.u32 $0xC000, s29  }
0x203: {  	s1 =	sshll.u32 s28, $0x7  }
0x204: {  	s1 =	sand.u32 $0x380, s1;
	s26 =	sshra.s32 s26, $0x2  }
0x205: {  	[sflag:s24] =	ssyncset.done @!p0 $0x0;
	s1 =	sor.u32 s1, s26  }
0x206: {  	s25 =	sadd.s32 s25, s14;
	[sflag:s24] =	ssyncadd.s32 @!p0 $0xFFFFFA00;
	s26 =	sadd.s32 $0x1C00, s1  }
0x207: {  	[hbm4b:s25+s4] =	stream.linear.scatter [tilespmem:s26], [sflag:$0x1], $0x80, $0x38;
	[tilespmem:$0x16C00] =	vst v63  }
0x208: {  	s31 =	sadd.s32 $0x80, s25;
	s30 =	sadd.s32 $0x2000, s1  }
0x209: {  	[hbm4b:s31+s4] =	stream.linear.scatter [tilespmem:s30], [sflag:$0x1], $0x80, $0x38;
	[tilespmem:$0x16C00] =	vst v63  }
0x20a: {  	s29 =	sadd.s32 $0x2400, s1;
	s30 =	sadd.s32 $0x100, s25  }
0x20b: {  	[hbm4b:s30+s4] =	stream.linear.scatter [tilespmem:s29], [sflag:$0x1], $0x80, $0x38;
	[tilespmem:$0x16C00] =	vst v63  }
0x20c: {  	s31 =	sadd.s32 $0x2800, s1;
	s29 =	sadd.s32 $0x180, s25  }
0x20d: {  	[hbm4b:s29+s4] =	stream.linear.scatter [tilespmem:s31], [sflag:$0x1], $0x80, $0x38;
	[tilespmem:$0x16C00] =	vst v63  }
0x20e: {  	s30 =	sadd.s32 $0x2C00, s1;
	s31 =	sadd.s32 $0x200, s25  }
0x20f: {  	[hbm4b:s31+s4] =	stream.linear.scatter [tilespmem:s30], [sflag:$0x1], $0x80, $0x38;
	[tilespmem:$0x16C00] =	vst v63  }
0x210: {  	s29 =	sadd.s32 $0x3000, s1;
	s30 =	sadd.s32 $0x280, s25  }
0x211: {  	[hbm4b:s30+s4] =	stream.linear.scatter [tilespmem:s29], [sflag:$0x1], $0x80, $0x38;
	[tilespmem:$0x16C00] =	vst v63  }
0x212: {  	s31 =	sadd.s32 $0x3400, s1;
	s29 =	sadd.s32 $0x300, s25  }
0x213: {  	[hbm4b:s29+s4] =	stream.linear.scatter [tilespmem:s31], [sflag:$0x1], $0x80, $0x38;
	[tilespmem:$0x16C00] =	vst v63  }
0x214: {  	s30 =	sadd.s32 $0x3800, s1;
	s31 =	sadd.s32 $0x380, s25  }
0x215: {  	[hbm4b:s31+s4] =	stream.linear.scatter [tilespmem:s30], [sflag:$0x1], $0x80, $0x38;
	[tilespmem:$0x16C00] =	vst v63  }
0x216: {  	s29 =	sadd.s32 $0x3C00, s1;
	s30 =	sadd.s32 $0x400, s25  }
0x217: {  	[hbm4b:s30+s4] =	stream.linear.scatter [tilespmem:s29], [sflag:$0x1], $0x80, $0x38;
	[tilespmem:$0x16C00] =	vst v63  }
0x218: {  	s23 =	sadd.s32 $0x1, s23;
	s31 =	sadd.s32 $0x4000, s1;
	s29 =	sadd.s32 $0x480, s25  }
0x219: {  	[hbm4b:s29+s4] =	stream.linear.scatter [tilespmem:s31], [sflag:$0x1], $0x80, $0x38;
	[tilespmem:$0x16C00] =	vst v63  }
0x21a: {  	p1 =	sne.s32 s23, $0x64;
	s30 =	sadd.s32 $0x4400, s1;
	s31 =	sadd.s32 $0x500, s25  }
0x21b: {  	[hbm4b:s31+s4] =	stream.linear.scatter [tilespmem:s30], [sflag:$0x1], $0x80, $0x38;
	[tilespmem:$0x16C00] =	vst v63  }
.Ltmp0:
0x21c: {  	s1 =	sadd.s32 $0x4800, s1;
	s25 =	sadd.s32 $0x580, s25;
	(pc) =	sbr.rel @p1 .LBB2_2-.Ltmp0, $4  }
0x21d: {  	[hbm4b:s25+s4] =	stream.linear.scatter [tilespmem:s1], [sflag:$0x1], $0x80, $0x38;
	[tilespmem:$0x16C00] =	vst v63  }
0x21e: {  	_ =	swait.ge @!p0 [sflag:s24], $0x600  }
0x21f: {  	[sflag:s24] =	ssyncset.done @!p0 $0x0  }
0x220: {  	s22 =	sadd.s32 $0x10, s22;
	[sflag:s24] =	ssyncadd.s32 @!p0 $0xFFFFFA00  }
0x221: {  	_ =	swait.ge [sflag:s20], $0x600  }
0x222: {  	[sflag:s20] =	ssyncset.done $0x0  }
0x223: {  	[sflag:s20] =	ssyncadd.s32 $0xFFFFFA00  }
0x224: {  	_ =	swait.ge [sflag:s20], $0x600  }
0x225: {  	[sflag:s20] =	ssyncset.done $0x0  }
0x226: {  	[sflag:s20] =	ssyncadd.s32 $0xFFFFFA00  }
0x227: {  	_ =	swait.ge [sflag:s20], $0x600  }
0x228: {  	[sflag:s20] =	ssyncset.done $0x0  }
0x229: {  	[sflag:s20] =	ssyncadd.s32 $0xFFFFFA00  }
0x22a: {  	_ =	swait.ge [sflag:s20], $0x600  }
0x22b: {  	[sflag:s20] =	ssyncset.done $0x0  }
0x22c: {  	[sflag:s20] =	ssyncadd.s32 $0xFFFFFA00  }
0x22d: {  	_ =	swait.ge [sflag:s20], $0x600  }
0x22e: {  	[sflag:s20] =	ssyncset.done $0x0  }
0x22f: {  	[sflag:s20] =	ssyncadd.s32 $0xFFFFFA00  }
0x230: {  	_ =	swait.ge [sflag:s20], $0x600  }
0x231: {  	[sflag:s20] =	ssyncset.done $0x0  }
0x232: {  	[sflag:s20] =	ssyncadd.s32 $0xFFFFFA00  }
0x233: {  	_ =	swait.ge [sflag:s20], $0x600  }
0x234: {  	[sflag:s20] =	ssyncset.done $0x0  }
0x235: {  	[sflag:s20] =	ssyncadd.s32 $0xFFFFFA00  }
0x236: {  	_ =	swait.ge [sflag:s20], $0x600  }
0x237: {  	[sflag:s20] =	ssyncset.done $0x0  }
0x238: {  	[sflag:s20] =	ssyncadd.s32 $0xFFFFFA00  }
0x239: {  	_ =	swait.ge [sflag:s20], $0x600  }
0x23a: {  	[sflag:s20] =	ssyncset.done $0x0  }
0x23b: {  	[sflag:s20] =	ssyncadd.s32 $0xFFFFFA00  }
0x23c: {  	_ =	swait.ge [sflag:s20], $0x600  }
0x23d: {  	[sflag:s20] =	ssyncset.done $0x0  }
0x23e: {  	[sflag:s20] =	ssyncadd.s32 $0xFFFFFA00  }
0x23f: {  	_ =	swait.ge [sflag:s20], $0x600  }
0x240: {  	[sflag:s20] =	ssyncset.done $0x0  }
0x241: {  	[sflag:s20] =	ssyncadd.s32 $0xFFFFFA00  }
0x242: {  	_ =	swait.ge [sflag:s20], $0x600  }
0x243: {  	[sflag:s20] =	ssyncset.done $0x0  }
0x244: {  	[sflag:s20] =	ssyncadd.s32 $0xFFFFFA00  }
0x245: {  	_ =	swait.ge [sflag:s20], $0x600  }
0x246: {  	[sflag:s20] =	ssyncset.done $0x0  }
0x247: {  	[sflag:s20] =	ssyncadd.s32 $0xFFFFFA00  }
0x248: {  	_ =	swait.ge [sflag:s20], $0x600  }
0x249: {  	[sflag:s20] =	ssyncset.done $0x0  }
0x24a: {  	s21 =	sadd.s32 $0x1, s21;
	[sflag:s20] =	ssyncadd.s32 $0xFFFFFA00  }
0x24b: {  	p0 =	sne.s32 s21, s15;
	_ =	swait.ge [sflag:s20], $0x600  }
.Ltmp1:
0x24c: {  	[sflag:s20] =	ssyncset.done $0x0;
	(pc) =	sbr.rel @p0 .LBB2_1-.Ltmp1, $4  }
0x24d: {  	[sflag:s20] =	ssyncadd.s32 $0xFFFFFA00  }
0x24e: {  	_ =	swait.ge [sflag:s20], $0x600  }
0x24f: {  	[sflag:s20] =	ssyncset.done $0x0  }
0x250: {  	[sflag:s20] =	ssyncadd.s32 $0xFFFFFA00  }
0x251: {  	_ =	sfence.sel $0x180000  }
0x252: {  	[bflag:$0x0] =	sbarrier.arrive $0xFFFF  }
0x253: {  	_ =	strace $0x90000047  }
0x254: {  	[bflag:$0x2] =	sbarrier.arrive $0xFFFF  }
0x255: {  	p0 =	sne.s32 s0, $0x0;
	s0 =	rddreg [dreg:$0x3]  }
0x256: {  	s0 =	sadd.s32 @!p0 $0x100000, s0  }
0x257: {  	[sflag:s0] =	ssyncadd.tile.s32 @!p0 $0x1;
	_ =	shalt  }
.Lfunc_end2:
_tile_overlayer_lowered:
.L_overlay_start_2:
0x258: {  	(tag) =	ssettag $0x2  }
0x259: {  	s0 =	rddreg [dreg:$0x0];
	s2 =	stileid.u32  }
0x25a: {  	s1 =	rddreg [dreg:$0x1];
	p0 =	sne.s32 s2, $0x0  }
0x25b: {  	s3 =	rddreg [dreg:$0x2];
	[bflag:$0x3] =	sbarrier.arrive $0xFFFF;
	s2 =	simm.s32 @!p0 $0x1C02  }
0x25c: {  	[timem:s3], [sflag:s2] =	dma.local @!p0 [hbm:s0], s1  }
0x25d: {  	s0 =	simm.s32 @!p0 $0x2  }
0x25e: {  	_ =	swait.ge @!p0 [sflag:s0], s1  }
0x25f: {  	s1 =	ssub.s32 @!p0 $0x0, s1;
	[sflag:s0] =	ssyncset.done @!p0 $0x0  }
0x260: {  	[sflag:s0] =	ssyncadd.s32 @!p0 s1  }
0x261: {  	[bflag:$0x3] =	sbarrier.arrive $0xFFFF  }
0x262: {  	_ =	shalt  }

</sc_bundles>
